<compile_context>
chip_gen: v7x
topology: tpu7x:2x2x1
jax: 0.10.2.dev20260603
libtpu: 0.0.44.dev20260713+nightly
codegen_flags: <defaults>
</compile_context>

<pallas_src>
import jax
import jax.numpy as jnp
from jax import lax
from jax.experimental import pallas as pl
from jax.experimental.pallas import tpu as pltpu
from jax.experimental.pallas import tpu_sc as plsc

_NC = 2
_NS = 16
_NW = _NC * _NS

_D = 1024
_SEQ = 2048
_ROWS_PER_W = _SEQ // _NW
_CHUNK_ROWS = 16
_CHUNK = _CHUNK_ROWS * _D
_NCHUNK_PER_B = _ROWS_PER_W // _CHUNK_ROWS
_LANES = 16


def _make_sc_body(n_batch):
    def _sc_body(x_hbm, pos_hbm, out_hbm, pos_v, xb0, xb1, sp, si0, si1, so0, so1):
        wid = lax.axis_index("s") * _NC + lax.axis_index("c")
        row0 = wid * _ROWS_PER_W

        bufs = (xb0, xb1)
        in_sems = (si0, si1)
        out_sems = (so0, so1)

        chunks = []
        for b in range(n_batch):
            for c in range(_NCHUNK_PER_B):
                chunks.append((b, c))
        n = len(chunks)

        def x_slice(i):
            b, c = chunks[i]
            return pl.ds(b * _SEQ + row0 + c * _CHUNK_ROWS, _CHUNK_ROWS)

        out_copies = [None, None]
        in_copy = [None, None]

        in_copy[0] = pltpu.async_copy(x_hbm.at[x_slice(0)], bufs[0], in_sems[0])
        in_copy[1] = pltpu.async_copy(x_hbm.at[x_slice(1)], bufs[1], in_sems[1])
        pos_copy = pltpu.async_copy(pos_hbm.at[pl.ds(row0, _ROWS_PER_W)], pos_v, sp)

        for i in range(n):
            k = i % 2
            in_copy[k].wait()
            if i == 0:
                pos_copy.wait()
            if out_copies[k] is not None:
                out_copies[k].wait()
                out_copies[k] = None

            xb = bufs[k]
            pos_row0 = chunks[i][1] * _CHUNK_ROWS

            @plsc.parallel_loop(0, _CHUNK, _LANES, unroll=8)
            def _add(off, xb=xb, pos_row0=pos_row0):
                r = lax.shift_right_logical(off, 10)
                cc = pl.multiple_of(lax.bitwise_and(off, _D - 1), _LANES)
                plsc.addupdate(
                    xb.at[r, pl.ds(cc, _LANES)], pos_v[pos_row0 + r, pl.ds(cc, _LANES)]
                )

            out_copies[k] = pltpu.async_copy(xb, out_hbm.at[x_slice(i)], out_sems[k])
            if i + 2 < n:
                in_copy[k] = pltpu.async_copy(x_hbm.at[x_slice(i + 2)], bufs[k], in_sems[k])

        for oc in out_copies:
            if oc is not None:
                oc.wait()

    return _sc_body


def kernel(x, pos_table):
    batch, seq_len, d_model = x.shape
    x2 = x.reshape(batch * seq_len, d_model)
    mesh = plsc.VectorSubcoreMesh(core_axis_name="c", subcore_axis_name="s")
    out2 = pl.kernel(
        _make_sc_body(batch),
        out_type=jax.ShapeDtypeStruct((batch * seq_len, d_model), jnp.float32),
        mesh=mesh,
        scratch_types=[
            pltpu.VMEM((_ROWS_PER_W, _D), jnp.float32),
            pltpu.VMEM((_CHUNK_ROWS, _D), jnp.float32),
            pltpu.VMEM((_CHUNK_ROWS, _D), jnp.float32),
            pltpu.SemaphoreType.DMA,
            pltpu.SemaphoreType.DMA,
            pltpu.SemaphoreType.DMA,
            pltpu.SemaphoreType.DMA,
            pltpu.SemaphoreType.DMA,
        ],
    )(x2, pos_table)
    return out2.reshape(x.shape)

# --- scband reference (transcript-rebuilt; emitter-appended) ---
"""Pipeline reference for scband-learnable-positional-encoding-18631568130786 (READ-ONLY COPY).

The authoritative reference and input builder live on the scoring server;
editing this copy changes nothing except your own understanding.
"""

import jax, jax.numpy as jnp
import numpy as np

D_MODEL = 1024
MAX_LEN = 2048
BATCH = 4
SEQ_LEN = 2048


def setup_inputs(seed: int = 0) -> dict:
    key = jax.random.key(seed)
    kx, kp = jax.random.split(key)
    x = jax.random.normal(kx, (BATCH, SEQ_LEN, D_MODEL), dtype=jnp.float32)
    # learned positional embedding table, like nn.Embedding(max_len, d_model)
    pos_table = jax.random.normal(kp, (MAX_LEN, D_MODEL), dtype=jnp.float32)
    return {"x": x, "pos_table": pos_table}


def reference(x, pos_table):
    # positions buffer: arange(max_len); slice to seq_len, unsqueeze batch dim
    seq_len = x.shape[1]
    pos = jnp.arange(seq_len)
    pos_emb = jnp.take(pos_table, pos, axis=0)  # [seq_len, d_model]
    # dropout with p=0.0 (inference) is identity
    return x + pos_emb[None, :, :]

if __name__ == "__main__":
    import jax
    _d = setup_inputs()
    print(jax.jit(kernel)(*tuple(_d.values())))

</pallas_src>

<mosaic_0001>
#map = affine_map<(d0, d1) -> (0, 0)>
module attributes {stable_mosaic.version = 14 : i64} {
  func.func @_sc_body(%arg0: i32, %arg1: i32, %arg2: memref<8192x1024xf32, #tpu.memory_space<hbm>>, %arg3: memref<2048x1024xf32, #tpu.memory_space<hbm>>, %arg4: memref<8192x1024xf32, #tpu.memory_space<hbm>>, %arg5: memref<64x1024xf32, #tpu.memory_space<vmem>>, %arg6: memref<16x1024xf32, #tpu.memory_space<vmem>>, %arg7: memref<16x1024xf32, #tpu.memory_space<vmem>>, %arg8: memref<!tpu.dma_semaphore, #tpu.memory_space<semaphore_mem>>, %arg9: memref<!tpu.dma_semaphore, #tpu.memory_space<semaphore_mem>>, %arg10: memref<!tpu.dma_semaphore, #tpu.memory_space<semaphore_mem>>, %arg11: memref<!tpu.dma_semaphore, #tpu.memory_space<semaphore_mem>>, %arg12: memref<!tpu.dma_semaphore, #tpu.memory_space<semaphore_mem>>) attributes {dimension_semantics = [#tpu.dimension_semantics<core_parallel>, #tpu.dimension_semantics<subcore_parallel>], iteration_bounds = array<i64: 2, 16>, scalar_prefetch = 0 : i64, scratch_operands = 8 : i64, tpu.core_type = #tpu.core_type<sc_vector_subcore>, window_params = [{transform_indices = #map}, {transform_indices = #map}, {transform_indices = #map}]} {
    %mul3A = arith.constant 2 : i32
    %mul3A_0 = arith.muli %arg1, %mul3A : i32
    %add3A = arith.addi %mul3A_0, %arg0 : i32
    %mul3A_1 = arith.constant 64 : i32
    %mul3A_2 = arith.muli %add3A, %mul3A_1 : i32
    %add3A_3 = arith.constant 0 : i32
    %add3A_4 = arith.addi %add3A_3, %mul3A_2 : i32
    %add3A_5 = arith.constant 0 : i32
    %add3A_6 = arith.addi %add3A_4, %add3A_5 : i32
    %dma_start3A = arith.constant 0 : i32
    %dma_start3A_7 = tpu.memref_slice %arg2[%add3A_6, %dma_start3A] : memref<8192x1024xf32, #tpu.memory_space<hbm>> -> memref<16x1024xf32, #tpu.memory_space<hbm>>
    %dma_start3A_8 = arith.constant 0 : i32
    %dma_start3A_9 = tpu.memref_slice %arg2[%add3A_6, %dma_start3A_8] : memref<8192x1024xf32, #tpu.memory_space<hbm>> -> memref<16x1024xf32, #tpu.memory_space<hbm>>
    tpu.enqueue_dma source(%dma_start3A_9 : memref<16x1024xf32, #tpu.memory_space<hbm>>) target(%arg6 : memref<16x1024xf32, #tpu.memory_space<vmem>>) target_semaphore(%arg9 : memref<!tpu.dma_semaphore, #tpu.memory_space<semaphore_mem>>)
    %add3A_10 = arith.constant 0 : i32
    %add3A_11 = arith.addi %add3A_10, %mul3A_2 : i32
    %add3A_12 = arith.constant 16 : i32
    %add3A_13 = arith.addi %add3A_11, %add3A_12 : i32
    %dma_start3A_14 = arith.constant 0 : i32
    %dma_start3A_15 = tpu.memref_slice %arg2[%add3A_13, %dma_start3A_14] : memref<8192x1024xf32, #tpu.memory_space<hbm>> -> memref<16x1024xf32, #tpu.memory_space<hbm>>
    %dma_start3A_16 = arith.constant 0 : i32
    %dma_start3A_17 = tpu.memref_slice %arg2[%add3A_13, %dma_start3A_16] : memref<8192x1024xf32, #tpu.memory_space<hbm>> -> memref<16x1024xf32, #tpu.memory_space<hbm>>
    tpu.enqueue_dma source(%dma_start3A_17 : memref<16x1024xf32, #tpu.memory_space<hbm>>) target(%arg7 : memref<16x1024xf32, #tpu.memory_space<vmem>>) target_semaphore(%arg10 : memref<!tpu.dma_semaphore, #tpu.memory_space<semaphore_mem>>)
    %dma_start3A_18 = arith.constant 0 : i32
    %dma_start3A_19 = tpu.memref_slice %arg3[%mul3A_2, %dma_start3A_18] : memref<2048x1024xf32, #tpu.memory_space<hbm>> -> memref<64x1024xf32, #tpu.memory_space<hbm>>
    %dma_start3A_20 = arith.constant 0 : i32
    %dma_start3A_21 = tpu.memref_slice %arg3[%mul3A_2, %dma_start3A_20] : memref<2048x1024xf32, #tpu.memory_space<hbm>> -> memref<64x1024xf32, #tpu.memory_space<hbm>>
    tpu.enqueue_dma source(%dma_start3A_21 : memref<64x1024xf32, #tpu.memory_space<hbm>>) target(%arg5 : memref<64x1024xf32, #tpu.memory_space<vmem>>) target_semaphore(%arg8 : memref<!tpu.dma_semaphore, #tpu.memory_space<semaphore_mem>>)
    %dma_wait3A = arith.constant 0 : i32
    %dma_wait3A_22 = tpu.memref_slice %arg2[%add3A_6, %dma_wait3A] : memref<8192x1024xf32, #tpu.memory_space<hbm>> -> memref<16x1024xf32, #tpu.memory_space<hbm>>
    %dma_wait3A_23 = arith.constant 0 : i32
    %dma_wait3A_24 = tpu.memref_slice %arg2[%add3A_6, %dma_wait3A_23] : memref<8192x1024xf32, #tpu.memory_space<hbm>> -> memref<16x1024xf32, #tpu.memory_space<hbm>>
    tpu.wait_dma2 semaphore(%arg9 : memref<!tpu.dma_semaphore, #tpu.memory_space<semaphore_mem>>) src(%dma_wait3A_24 : memref<16x1024xf32, #tpu.memory_space<hbm>>) dst(%arg6 : memref<16x1024xf32, #tpu.memory_space<vmem>>)
    %dma_wait3A_25 = arith.constant 0 : i32
    %dma_wait3A_26 = tpu.memref_slice %arg3[%mul3A_2, %dma_wait3A_25] : memref<2048x1024xf32, #tpu.memory_space<hbm>> -> memref<64x1024xf32, #tpu.memory_space<hbm>>
    %dma_wait3A_27 = arith.constant 0 : i32
    %dma_wait3A_28 = tpu.memref_slice %arg3[%mul3A_2, %dma_wait3A_27] : memref<2048x1024xf32, #tpu.memory_space<hbm>> -> memref<64x1024xf32, #tpu.memory_space<hbm>>
    tpu.wait_dma2 semaphore(%arg8 : memref<!tpu.dma_semaphore, #tpu.memory_space<semaphore_mem>>) src(%dma_wait3A_28 : memref<64x1024xf32, #tpu.memory_space<hbm>>) dst(%arg5 : memref<64x1024xf32, #tpu.memory_space<vmem>>)
    %parallel_loop3A = arith.constant 0 : i32
    %parallel_loop3A_29 = arith.constant 16384 : i32
    %parallel_loop3A_30 = arith.constant 16 : i32
    scf.for %parallel_loop3A_440 = %parallel_loop3A to %parallel_loop3A_29 step %parallel_loop3A_30  : i32 {
      %parallel_loop3A_441 = arith.constant 10 : i32
      %parallel_loop3A_442 = arith.shrui %parallel_loop3A_440, %parallel_loop3A_441 : i32
      %parallel_loop3A_443 = arith.constant 1023 : i32
      %parallel_loop3A_444 = arith.andi %parallel_loop3A_440, %parallel_loop3A_443 : i32
      %parallel_loop3A_445 = tpu.assume_multiple %parallel_loop3A_444, 16 : i32
      %parallel_loop3A_446 = arith.constant 0 : i32
      %parallel_loop3A_447 = arith.addi %parallel_loop3A_446, %parallel_loop3A_442 : i32
      %parallel_loop3A_448 = arith.index_cast %parallel_loop3A_447 : i32 to index
      %parallel_loop3A_449 = arith.index_cast %parallel_loop3A_445 : i32 to index
      %parallel_loop3A_450 = tpu.vector_load %arg5[%parallel_loop3A_448, %parallel_loop3A_449] {strides = array<i32>} : memref<64x1024xf32, #tpu.memory_space<vmem>>, vector<1x16xf32>,
      %parallel_loop3A_451 = vector.shape_cast %parallel_loop3A_450 : vector<1x16xf32> to vector<16xf32>
      %parallel_loop3A_452 = arith.index_cast %parallel_loop3A_442 : i32 to index
      %parallel_loop3A_453 = arith.index_cast %parallel_loop3A_445 : i32 to index
      %parallel_loop3A_454 = tpu.vector_load %arg6[%parallel_loop3A_452, %parallel_loop3A_453] {strides = array<i32>} : memref<16x1024xf32, #tpu.memory_space<vmem>>, vector<1x16xf32>,
      %parallel_loop3A_455 = vector.shape_cast %parallel_loop3A_454 : vector<1x16xf32> to vector<16xf32>
      %parallel_loop3A_456 = vector.shape_cast %parallel_loop3A_451 : vector<16xf32> to vector<1x16xf32>
      tpu.vector_store %arg6[%parallel_loop3A_452, %parallel_loop3A_453], %parallel_loop3A_456 {add = true, strides = array<i32>} : memref<16x1024xf32, #tpu.memory_space<vmem>>, vector<1x16xf32>,
    } {sc.loop_unroll_factor = 8 : i64, sc.parallel_access}
    %add3A_31 = arith.constant 0 : i32
    %add3A_32 = arith.addi %add3A_31, %mul3A_2 : i32
    %add3A_33 = arith.constant 0 : i32
    %add3A_34 = arith.addi %add3A_32, %add3A_33 : i32
    %dma_start3A_35 = arith.constant 0 : i32
    %dma_start3A_36 = tpu.memref_slice %arg4[%add3A_34, %dma_start3A_35] : memref<8192x1024xf32, #tpu.memory_space<hbm>> -> memref<16x1024xf32, #tpu.memory_space<hbm>>
    %dma_start3A_37 = arith.constant 0 : i32
    %dma_start3A_38 = tpu.memref_slice %arg4[%add3A_34, %dma_start3A_37] : memref<8192x1024xf32, #tpu.memory_space<hbm>> -> memref<16x1024xf32, #tpu.memory_space<hbm>>
    tpu.enqueue_dma source(%arg6 : memref<16x1024xf32, #tpu.memory_space<vmem>>) target(%dma_start3A_38 : memref<16x1024xf32, #tpu.memory_space<hbm>>) target_semaphore(%arg11 : memref<!tpu.dma_semaphore, #tpu.memory_space<semaphore_mem>>)
    %add3A_39 = arith.constant 0 : i32
    %add3A_40 = arith.addi %add3A_39, %mul3A_2 : i32
    %add3A_41 = arith.constant 32 : i32
    %add3A_42 = arith.addi %add3A_40, %add3A_41 : i32
    %dma_start3A_43 = arith.constant 0 : i32
    %dma_start3A_44 = tpu.memref_slice %arg2[%add3A_42, %dma_start3A_43] : memref<8192x1024xf32, #tpu.memory_space<hbm>> -> memref<16x1024xf32, #tpu.memory_space<hbm>>
    %dma_start3A_45 = arith.constant 0 : i32
    %dma_start3A_46 = tpu.memref_slice %arg2[%add3A_42, %dma_start3A_45] : memref<8192x1024xf32, #tpu.memory_space<hbm>> -> memref<16x1024xf32, #tpu.memory_space<hbm>>
    tpu.enqueue_dma source(%dma_start3A_46 : memref<16x1024xf32, #tpu.memory_space<hbm>>) target(%arg6 : memref<16x1024xf32, #tpu.memory_space<vmem>>) target_semaphore(%arg9 : memref<!tpu.dma_semaphore, #tpu.memory_space<semaphore_mem>>)
    %dma_wait3A_47 = arith.constant 0 : i32
    %dma_wait3A_48 = tpu.memref_slice %arg2[%add3A_13, %dma_wait3A_47] : memref<8192x1024xf32, #tpu.memory_space<hbm>> -> memref<16x1024xf32, #tpu.memory_space<hbm>>
    %dma_wait3A_49 = arith.constant 0 : i32
    %dma_wait3A_50 = tpu.memref_slice %arg2[%add3A_13, %dma_wait3A_49] : memref<8192x1024xf32, #tpu.memory_space<hbm>> -> memref<16x1024xf32, #tpu.memory_space<hbm>>
    tpu.wait_dma2 semaphore(%arg10 : memref<!tpu.dma_semaphore, #tpu.memory_space<semaphore_mem>>) src(%dma_wait3A_50 : memref<16x1024xf32, #tpu.memory_space<hbm>>) dst(%arg7 : memref<16x1024xf32, #tpu.memory_space<vmem>>)
    %parallel_loop3A_51 = arith.constant 0 : i32
    %parallel_loop3A_52 = arith.constant 16384 : i32
    %parallel_loop3A_53 = arith.constant 16 : i32
    scf.for %parallel_loop3A_440 = %parallel_loop3A_51 to %parallel_loop3A_52 step %parallel_loop3A_53  : i32 {
      %parallel_loop3A_441 = arith.constant 10 : i32
      %parallel_loop3A_442 = arith.shrui %parallel_loop3A_440, %parallel_loop3A_441 : i32
      %parallel_loop3A_443 = arith.constant 1023 : i32
      %parallel_loop3A_444 = arith.andi %parallel_loop3A_440, %parallel_loop3A_443 : i32
      %parallel_loop3A_445 = tpu.assume_multiple %parallel_loop3A_444, 16 : i32
      %parallel_loop3A_446 = arith.constant 16 : i32
      %parallel_loop3A_447 = arith.addi %parallel_loop3A_446, %parallel_loop3A_442 : i32
      %parallel_loop3A_448 = arith.index_cast %parallel_loop3A_447 : i32 to index
      %parallel_loop3A_449 = arith.index_cast %parallel_loop3A_445 : i32 to index
      %parallel_loop3A_450 = tpu.vector_load %arg5[%parallel_loop3A_448, %parallel_loop3A_449] {strides = array<i32>} : memref<64x1024xf32, #tpu.memory_space<vmem>>, vector<1x16xf32>,
      %parallel_loop3A_451 = vector.shape_cast %parallel_loop3A_450 : vector<1x16xf32> to vector<16xf32>
      %parallel_loop3A_452 = arith.index_cast %parallel_loop3A_442 : i32 to index
      %parallel_loop3A_453 = arith.index_cast %parallel_loop3A_445 : i32 to index
      %parallel_loop3A_454 = tpu.vector_load %arg7[%parallel_loop3A_452, %parallel_loop3A_453] {strides = array<i32>} : memref<16x1024xf32, #tpu.memory_space<vmem>>, vector<1x16xf32>,
      %parallel_loop3A_455 = vector.shape_cast %parallel_loop3A_454 : vector<1x16xf32> to vector<16xf32>
      %parallel_loop3A_456 = vector.shape_cast %parallel_loop3A_451 : vector<16xf32> to vector<1x16xf32>
      tpu.vector_store %arg7[%parallel_loop3A_452, %parallel_loop3A_453], %parallel_loop3A_456 {add = true, strides = array<i32>} : memref<16x1024xf32, #tpu.memory_space<vmem>>, vector<1x16xf32>,
    } {sc.loop_unroll_factor = 8 : i64, sc.parallel_access}
    %add3A_54 = arith.constant 0 : i32
    %add3A_55 = arith.addi %add3A_54, %mul3A_2 : i32
    %add3A_56 = arith.constant 16 : i32
    %add3A_57 = arith.addi %add3A_55, %add3A_56 : i32
    %dma_start3A_58 = arith.constant 0 : i32
    %dma_start3A_59 = tpu.memref_slice %arg4[%add3A_57, %dma_start3A_58] : memref<8192x1024xf32, #tpu.memory_space<hbm>> -> memref<16x1024xf32, #tpu.memory_space<hbm>>
    %dma_start3A_60 = arith.constant 0 : i32
    %dma_start3A_61 = tpu.memref_slice %arg4[%add3A_57, %dma_start3A_60] : memref<8192x1024xf32, #tpu.memory_space<hbm>> -> memref<16x1024xf32, #tpu.memory_space<hbm>>
    tpu.enqueue_dma source(%arg7 : memref<16x1024xf32, #tpu.memory_space<vmem>>) target(%dma_start3A_61 : memref<16x1024xf32, #tpu.memory_space<hbm>>) target_semaphore(%arg12 : memref<!tpu.dma_semaphore, #tpu.memory_space<semaphore_mem>>)
    %add3A_62 = arith.constant 0 : i32
    %add3A_63 = arith.addi %add3A_62, %mul3A_2 : i32
    %add3A_64 = arith.constant 48 : i32
    %add3A_65 = arith.addi %add3A_63, %add3A_64 : i32
    %dma_start3A_66 = arith.constant 0 : i32
    %dma_start3A_67 = tpu.memref_slice %arg2[%add3A_65, %dma_start3A_66] : memref<8192x1024xf32, #tpu.memory_space<hbm>> -> memref<16x1024xf32, #tpu.memory_space<hbm>>
    %dma_start3A_68 = arith.constant 0 : i32
    %dma_start3A_69 = tpu.memref_slice %arg2[%add3A_65, %dma_start3A_68] : memref<8192x1024xf32, #tpu.memory_space<hbm>> -> memref<16x1024xf32, #tpu.memory_space<hbm>>
    tpu.enqueue_dma source(%dma_start3A_69 : memref<16x1024xf32, #tpu.memory_space<hbm>>) target(%arg7 : memref<16x1024xf32, #tpu.memory_space<vmem>>) target_semaphore(%arg10 : memref<!tpu.dma_semaphore, #tpu.memory_space<semaphore_mem>>)
    %dma_wait3A_70 = arith.constant 0 : i32
    %dma_wait3A_71 = tpu.memref_slice %arg2[%add3A_42, %dma_wait3A_70] : memref<8192x1024xf32, #tpu.memory_space<hbm>> -> memref<16x1024xf32, #tpu.memory_space<hbm>>
    %dma_wait3A_72 = arith.constant 0 : i32
    %dma_wait3A_73 = tpu.memref_slice %arg2[%add3A_42, %dma_wait3A_72] : memref<8192x1024xf32, #tpu.memory_space<hbm>> -> memref<16x1024xf32, #tpu.memory_space<hbm>>
    tpu.wait_dma2 semaphore(%arg9 : memref<!tpu.dma_semaphore, #tpu.memory_space<semaphore_mem>>) src(%dma_wait3A_73 : memref<16x1024xf32, #tpu.memory_space<hbm>>) dst(%arg6 : memref<16x1024xf32, #tpu.memory_space<vmem>>)
    %dma_wait3A_74 = arith.constant 0 : i32
    %dma_wait3A_75 = tpu.memref_slice %arg4[%add3A_34, %dma_wait3A_74] : memref<8192x1024xf32, #tpu.memory_space<hbm>> -> memref<16x1024xf32, #tpu.memory_space<hbm>>
    %dma_wait3A_76 = arith.constant 0 : i32
    %dma_wait3A_77 = tpu.memref_slice %arg4[%add3A_34, %dma_wait3A_76] : memref<8192x1024xf32, #tpu.memory_space<hbm>> -> memref<16x1024xf32, #tpu.memory_space<hbm>>
    tpu.wait_dma2 semaphore(%arg11 : memref<!tpu.dma_semaphore, #tpu.memory_space<semaphore_mem>>) src(%arg6 : memref<16x1024xf32, #tpu.memory_space<vmem>>) dst(%dma_wait3A_77 : memref<16x1024xf32, #tpu.memory_space<hbm>>)
    %parallel_loop3A_78 = arith.constant 0 : i32
    %parallel_loop3A_79 = arith.constant 16384 : i32
    %parallel_loop3A_80 = arith.constant 16 : i32
    scf.for %parallel_loop3A_440 = %parallel_loop3A_78 to %parallel_loop3A_79 step %parallel_loop3A_80  : i32 {
      %parallel_loop3A_441 = arith.constant 10 : i32
      %parallel_loop3A_442 = arith.shrui %parallel_loop3A_440, %parallel_loop3A_441 : i32
      %parallel_loop3A_443 = arith.constant 1023 : i32
      %parallel_loop3A_444 = arith.andi %parallel_loop3A_440, %parallel_loop3A_443 : i32
      %parallel_loop3A_445 = tpu.assume_multiple %parallel_loop3A_444, 16 : i32
      %parallel_loop3A_446 = arith.constant 32 : i32
      %parallel_loop3A_447 = arith.addi %parallel_loop3A_446, %parallel_loop3A_442 : i32
      %parallel_loop3A_448 = arith.index_cast %parallel_loop3A_447 : i32 to index
      %parallel_loop3A_449 = arith.index_cast %parallel_loop3A_445 : i32 to index
      %parallel_loop3A_450 = tpu.vector_load %arg5[%parallel_loop3A_448, %parallel_loop3A_449] {strides = array<i32>} : memref<64x1024xf32, #tpu.memory_space<vmem>>, vector<1x16xf32>,
      %parallel_loop3A_451 = vector.shape_cast %parallel_loop3A_450 : vector<1x16xf32> to vector<16xf32>
      %parallel_loop3A_452 = arith.index_cast %parallel_loop3A_442 : i32 to index
      %parallel_loop3A_453 = arith.index_cast %parallel_loop3A_445 : i32 to index
      %parallel_loop3A_454 = tpu.vector_load %arg6[%parallel_loop3A_452, %parallel_loop3A_453] {strides = array<i32>} : memref<16x1024xf32, #tpu.memory_space<vmem>>, vector<1x16xf32>,
      %parallel_loop3A_455 = vector.shape_cast %parallel_loop3A_454 : vector<1x16xf32> to vector<16xf32>
      %parallel_loop3A_456 = vector.shape_cast %parallel_loop3A_451 : vector<16xf32> to vector<1x16xf32>
      tpu.vector_store %arg6[%parallel_loop3A_452, %parallel_loop3A_453], %parallel_loop3A_456 {add = true, strides = array<i32>} : memref<16x1024xf32, #tpu.memory_space<vmem>>, vector<1x16xf32>,
    } {sc.loop_unroll_factor = 8 : i64, sc.parallel_access}
    %add3A_81 = arith.constant 0 : i32
    %add3A_82 = arith.addi %add3A_81, %mul3A_2 : i32
    %add3A_83 = arith.constant 32 : i32
    %add3A_84 = arith.addi %add3A_82, %add3A_83 : i32
    %dma_start3A_85 = arith.constant 0 : i32
    %dma_start3A_86 = tpu.memref_slice %arg4[%add3A_84, %dma_start3A_85] : memref<8192x1024xf32, #tpu.memory_space<hbm>> -> memref<16x1024xf32, #tpu.memory_space<hbm>>
    %dma_start3A_87 = arith.constant 0 : i32
    %dma_start3A_88 = tpu.memref_slice %arg4[%add3A_84, %dma_start3A_87] : memref<8192x1024xf32, #tpu.memory_space<hbm>> -> memref<16x1024xf32, #tpu.memory_space<hbm>>
    tpu.enqueue_dma source(%arg6 : memref<16x1024xf32, #tpu.memory_space<vmem>>) target(%dma_start3A_88 : memref<16x1024xf32, #tpu.memory_space<hbm>>) target_semaphore(%arg11 : memref<!tpu.dma_semaphore, #tpu.memory_space<semaphore_mem>>)
    %add3A_89 = arith.constant 2048 : i32
    %add3A_90 = arith.addi %add3A_89, %mul3A_2 : i32
    %add3A_91 = arith.constant 0 : i32
    %add3A_92 = arith.addi %add3A_90, %add3A_91 : i32
    %dma_start3A_93 = arith.constant 0 : i32
    %dma_start3A_94 = tpu.memref_slice %arg2[%add3A_92, %dma_start3A_93] : memref<8192x1024xf32, #tpu.memory_space<hbm>> -> memref<16x1024xf32, #tpu.memory_space<hbm>>
    %dma_start3A_95 = arith.constant 0 : i32
    %dma_start3A_96 = tpu.memref_slice %arg2[%add3A_92, %dma_start3A_95] : memref<8192x1024xf32, #tpu.memory_space<hbm>> -> memref<16x1024xf32, #tpu.memory_space<hbm>>
    tpu.enqueue_dma source(%dma_start3A_96 : memref<16x1024xf32, #tpu.memory_space<hbm>>) target(%arg6 : memref<16x1024xf32, #tpu.memory_space<vmem>>) target_semaphore(%arg9 : memref<!tpu.dma_semaphore, #tpu.memory_space<semaphore_mem>>)
    %dma_wait3A_97 = arith.constant 0 : i32
    %dma_wait3A_98 = tpu.memref_slice %arg2[%add3A_65, %dma_wait3A_97] : memref<8192x1024xf32, #tpu.memory_space<hbm>> -> memref<16x1024xf32, #tpu.memory_space<hbm>>
    %dma_wait3A_99 = arith.constant 0 : i32
    %dma_wait3A_100 = tpu.memref_slice %arg2[%add3A_65, %dma_wait3A_99] : memref<8192x1024xf32, #tpu.memory_space<hbm>> -> memref<16x1024xf32, #tpu.memory_space<hbm>>
    tpu.wait_dma2 semaphore(%arg10 : memref<!tpu.dma_semaphore, #tpu.memory_space<semaphore_mem>>) src(%dma_wait3A_100 : memref<16x1024xf32, #tpu.memory_space<hbm>>) dst(%arg7 : memref<16x1024xf32, #tpu.memory_space<vmem>>)
    %dma_wait3A_101 = arith.constant 0 : i32
    %dma_wait3A_102 = tpu.memref_slice %arg4[%add3A_57, %dma_wait3A_101] : memref<8192x1024xf32, #tpu.memory_space<hbm>> -> memref<16x1024xf32, #tpu.memory_space<hbm>>
    %dma_wait3A_103 = arith.constant 0 : i32
    %dma_wait3A_104 = tpu.memref_slice %arg4[%add3A_57, %dma_wait3A_103] : memref<8192x1024xf32, #tpu.memory_space<hbm>> -> memref<16x1024xf32, #tpu.memory_space<hbm>>
    tpu.wait_dma2 semaphore(%arg12 : memref<!tpu.dma_semaphore, #tpu.memory_space<semaphore_mem>>) src(%arg7 : memref<16x1024xf32, #tpu.memory_space<vmem>>) dst(%dma_wait3A_104 : memref<16x1024xf32, #tpu.memory_space<hbm>>)
    %parallel_loop3A_105 = arith.constant 0 : i32
    %parallel_loop3A_106 = arith.constant 16384 : i32
    %parallel_loop3A_107 = arith.constant 16 : i32
    scf.for %parallel_loop3A_440 = %parallel_loop3A_105 to %parallel_loop3A_106 step %parallel_loop3A_107  : i32 {
      %parallel_loop3A_441 = arith.constant 10 : i32
      %parallel_loop3A_442 = arith.shrui %parallel_loop3A_440, %parallel_loop3A_441 : i32
      %parallel_loop3A_443 = arith.constant 1023 : i32
      %parallel_loop3A_444 = arith.andi %parallel_loop3A_440, %parallel_loop3A_443 : i32
      %parallel_loop3A_445 = tpu.assume_multiple %parallel_loop3A_444, 16 : i32
      %parallel_loop3A_446 = arith.constant 48 : i32
      %parallel_loop3A_447 = arith.addi %parallel_loop3A_446, %parallel_loop3A_442 : i32
      %parallel_loop3A_448 = arith.index_cast %parallel_loop3A_447 : i32 to index
      %parallel_loop3A_449 = arith.index_cast %parallel_loop3A_445 : i32 to index
      %parallel_loop3A_450 = tpu.vector_load %arg5[%parallel_loop3A_448, %parallel_loop3A_449] {strides = array<i32>} : memref<64x1024xf32, #tpu.memory_space<vmem>>, vector<1x16xf32>,
      %parallel_loop3A_451 = vector.shape_cast %parallel_loop3A_450 : vector<1x16xf32> to vector<16xf32>
      %parallel_loop3A_452 = arith.index_cast %parallel_loop3A_442 : i32 to index
      %parallel_loop3A_453 = arith.index_cast %parallel_loop3A_445 : i32 to index
      %parallel_loop3A_454 = tpu.vector_load %arg7[%parallel_loop3A_452, %parallel_loop3A_453] {strides = array<i32>} : memref<16x1024xf32, #tpu.memory_space<vmem>>, vector<1x16xf32>,
      %parallel_loop3A_455 = vector.shape_cast %parallel_loop3A_454 : vector<1x16xf32> to vector<16xf32>
      %parallel_loop3A_456 = vector.shape_cast %parallel_loop3A_451 : vector<16xf32> to vector<1x16xf32>
      tpu.vector_store %arg7[%parallel_loop3A_452, %parallel_loop3A_453], %parallel_loop3A_456 {add = true, strides = array<i32>} : memref<16x1024xf32, #tpu.memory_space<vmem>>, vector<1x16xf32>,
    } {sc.loop_unroll_factor = 8 : i64, sc.parallel_access}
    %add3A_108 = arith.constant 0 : i32
    %add3A_109 = arith.addi %add3A_108, %mul3A_2 : i32
    %add3A_110 = arith.constant 48 : i32
    %add3A_111 = arith.addi %add3A_109, %add3A_110 : i32
    %dma_start3A_112 = arith.constant 0 : i32
    %dma_start3A_113 = tpu.memref_slice %arg4[%add3A_111, %dma_start3A_112] : memref<8192x1024xf32, #tpu.memory_space<hbm>> -> memref<16x1024xf32, #tpu.memory_space<hbm>>
    %dma_start3A_114 = arith.constant 0 : i32
    %dma_start3A_115 = tpu.memref_slice %arg4[%add3A_111, %dma_start3A_114] : memref<8192x1024xf32, #tpu.memory_space<hbm>> -> memref<16x1024xf32, #tpu.memory_space<hbm>>
    tpu.enqueue_dma source(%arg7 : memref<16x1024xf32, #tpu.memory_space<vmem>>) target(%dma_start3A_115 : memref<16x1024xf32, #tpu.memory_space<hbm>>) target_semaphore(%arg12 : memref<!tpu.dma_semaphore, #tpu.memory_space<semaphore_mem>>)
    %add3A_116 = arith.constant 2048 : i32
    %add3A_117 = arith.addi %add3A_116, %mul3A_2 : i32
    %add3A_118 = arith.constant 16 : i32
    %add3A_119 = arith.addi %add3A_117, %add3A_118 : i32
    %dma_start3A_120 = arith.constant 0 : i32
    %dma_start3A_121 = tpu.memref_slice %arg2[%add3A_119, %dma_start3A_120] : memref<8192x1024xf32, #tpu.memory_space<hbm>> -> memref<16x1024xf32, #tpu.memory_space<hbm>>
    %dma_start3A_122 = arith.constant 0 : i32
    %dma_start3A_123 = tpu.memref_slice %arg2[%add3A_119, %dma_start3A_122] : memref<8192x1024xf32, #tpu.memory_space<hbm>> -> memref<16x1024xf32, #tpu.memory_space<hbm>>
    tpu.enqueue_dma source(%dma_start3A_123 : memref<16x1024xf32, #tpu.memory_space<hbm>>) target(%arg7 : memref<16x1024xf32, #tpu.memory_space<vmem>>) target_semaphore(%arg10 : memref<!tpu.dma_semaphore, #tpu.memory_space<semaphore_mem>>)
    %dma_wait3A_124 = arith.constant 0 : i32
    %dma_wait3A_125 = tpu.memref_slice %arg2[%add3A_92, %dma_wait3A_124] : memref<8192x1024xf32, #tpu.memory_space<hbm>> -> memref<16x1024xf32, #tpu.memory_space<hbm>>
    %dma_wait3A_126 = arith.constant 0 : i32
    %dma_wait3A_127 = tpu.memref_slice %arg2[%add3A_92, %dma_wait3A_126] : memref<8192x1024xf32, #tpu.memory_space<hbm>> -> memref<16x1024xf32, #tpu.memory_space<hbm>>
    tpu.wait_dma2 semaphore(%arg9 : memref<!tpu.dma_semaphore, #tpu.memory_space<semaphore_mem>>) src(%dma_wait3A_127 : memref<16x1024xf32, #tpu.memory_space<hbm>>) dst(%arg6 : memref<16x1024xf32, #tpu.memory_space<vmem>>)
    %dma_wait3A_128 = arith.constant 0 : i32
    %dma_wait3A_129 = tpu.memref_slice %arg4[%add3A_84, %dma_wait3A_128] : memref<8192x1024xf32, #tpu.memory_space<hbm>> -> memref<16x1024xf32, #tpu.memory_space<hbm>>
    %dma_wait3A_130 = arith.constant 0 : i32
    %dma_wait3A_131 = tpu.memref_slice %arg4[%add3A_84, %dma_wait3A_130] : memref<8192x1024xf32, #tpu.memory_space<hbm>> -> memref<16x1024xf32, #tpu.memory_space<hbm>>
    tpu.wait_dma2 semaphore(%arg11 : memref<!tpu.dma_semaphore, #tpu.memory_space<semaphore_mem>>) src(%arg6 : memref<16x1024xf32, #tpu.memory_space<vmem>>) dst(%dma_wait3A_131 : memref<16x1024xf32, #tpu.memory_space<hbm>>)
    %parallel_loop3A_132 = arith.constant 0 : i32
    %parallel_loop3A_133 = arith.constant 16384 : i32
    %parallel_loop3A_134 = arith.constant 16 : i32
    scf.for %parallel_loop3A_440 = %parallel_loop3A_132 to %parallel_loop3A_133 step %parallel_loop3A_134  : i32 {
      %parallel_loop3A_441 = arith.constant 10 : i32
      %parallel_loop3A_442 = arith.shrui %parallel_loop3A_440, %parallel_loop3A_441 : i32
      %parallel_loop3A_443 = arith.constant 1023 : i32
      %parallel_loop3A_444 = arith.andi %parallel_loop3A_440, %parallel_loop3A_443 : i32
      %parallel_loop3A_445 = tpu.assume_multiple %parallel_loop3A_444, 16 : i32
      %parallel_loop3A_446 = arith.constant 0 : i32
      %parallel_loop3A_447 = arith.addi %parallel_loop3A_446, %parallel_loop3A_442 : i32
      %parallel_loop3A_448 = arith.index_cast %parallel_loop3A_447 : i32 to index
      %parallel_loop3A_449 = arith.index_cast %parallel_loop3A_445 : i32 to index
      %parallel_loop3A_450 = tpu.vector_load %arg5[%parallel_loop3A_448, %parallel_loop3A_449] {strides = array<i32>} : memref<64x1024xf32, #tpu.memory_space<vmem>>, vector<1x16xf32>,
      %parallel_loop3A_451 = vector.shape_cast %parallel_loop3A_450 : vector<1x16xf32> to vector<16xf32>
      %parallel_loop3A_452 = arith.index_cast %parallel_loop3A_442 : i32 to index
      %parallel_loop3A_453 = arith.index_cast %parallel_loop3A_445 : i32 to index
      %parallel_loop3A_454 = tpu.vector_load %arg6[%parallel_loop3A_452, %parallel_loop3A_453] {strides = array<i32>} : memref<16x1024xf32, #tpu.memory_space<vmem>>, vector<1x16xf32>,
      %parallel_loop3A_455 = vector.shape_cast %parallel_loop3A_454 : vector<1x16xf32> to vector<16xf32>
      %parallel_loop3A_456 = vector.shape_cast %parallel_loop3A_451 : vector<16xf32> to vector<1x16xf32>
      tpu.vector_store %arg6[%parallel_loop3A_452, %parallel_loop3A_453], %parallel_loop3A_456 {add = true, strides = array<i32>} : memref<16x1024xf32, #tpu.memory_space<vmem>>, vector<1x16xf32>,
    } {sc.loop_unroll_factor = 8 : i64, sc.parallel_access}
    %add3A_135 = arith.constant 2048 : i32
    %add3A_136 = arith.addi %add3A_135, %mul3A_2 : i32
    %add3A_137 = arith.constant 0 : i32
    %add3A_138 = arith.addi %add3A_136, %add3A_137 : i32
    %dma_start3A_139 = arith.constant 0 : i32
    %dma_start3A_140 = tpu.memref_slice %arg4[%add3A_138, %dma_start3A_139] : memref<8192x1024xf32, #tpu.memory_space<hbm>> -> memref<16x1024xf32, #tpu.memory_space<hbm>>
    %dma_start3A_141 = arith.constant 0 : i32
    %dma_start3A_142 = tpu.memref_slice %arg4[%add3A_138, %dma_start3A_141] : memref<8192x1024xf32, #tpu.memory_space<hbm>> -> memref<16x1024xf32, #tpu.memory_space<hbm>>
    tpu.enqueue_dma source(%arg6 : memref<16x1024xf32, #tpu.memory_space<vmem>>) target(%dma_start3A_142 : memref<16x1024xf32, #tpu.memory_space<hbm>>) target_semaphore(%arg11 : memref<!tpu.dma_semaphore, #tpu.memory_space<semaphore_mem>>)
    %add3A_143 = arith.constant 2048 : i32
    %add3A_144 = arith.addi %add3A_143, %mul3A_2 : i32
    %add3A_145 = arith.constant 32 : i32
    %add3A_146 = arith.addi %add3A_144, %add3A_145 : i32
    %dma_start3A_147 = arith.constant 0 : i32
    %dma_start3A_148 = tpu.memref_slice %arg2[%add3A_146, %dma_start3A_147] : memref<8192x1024xf32, #tpu.memory_space<hbm>> -> memref<16x1024xf32, #tpu.memory_space<hbm>>
    %dma_start3A_149 = arith.constant 0 : i32
    %dma_start3A_150 = tpu.memref_slice %arg2[%add3A_146, %dma_start3A_149] : memref<8192x1024xf32, #tpu.memory_space<hbm>> -> memref<16x1024xf32, #tpu.memory_space<hbm>>
    tpu.enqueue_dma source(%dma_start3A_150 : memref<16x1024xf32, #tpu.memory_space<hbm>>) target(%arg6 : memref<16x1024xf32, #tpu.memory_space<vmem>>) target_semaphore(%arg9 : memref<!tpu.dma_semaphore, #tpu.memory_space<semaphore_mem>>)
    %dma_wait3A_151 = arith.constant 0 : i32
    %dma_wait3A_152 = tpu.memref_slice %arg2[%add3A_119, %dma_wait3A_151] : memref<8192x1024xf32, #tpu.memory_space<hbm>> -> memref<16x1024xf32, #tpu.memory_space<hbm>>
    %dma_wait3A_153 = arith.constant 0 : i32
    %dma_wait3A_154 = tpu.memref_slice %arg2[%add3A_119, %dma_wait3A_153] : memref<8192x1024xf32, #tpu.memory_space<hbm>> -> memref<16x1024xf32, #tpu.memory_space<hbm>>
    tpu.wait_dma2 semaphore(%arg10 : memref<!tpu.dma_semaphore, #tpu.memory_space<semaphore_mem>>) src(%dma_wait3A_154 : memref<16x1024xf32, #tpu.memory_space<hbm>>) dst(%arg7 : memref<16x1024xf32, #tpu.memory_space<vmem>>)
    %dma_wait3A_155 = arith.constant 0 : i32
    %dma_wait3A_156 = tpu.memref_slice %arg4[%add3A_111, %dma_wait3A_155] : memref<8192x1024xf32, #tpu.memory_space<hbm>> -> memref<16x1024xf32, #tpu.memory_space<hbm>>
    %dma_wait3A_157 = arith.constant 0 : i32
    %dma_wait3A_158 = tpu.memref_slice %arg4[%add3A_111, %dma_wait3A_157] : memref<8192x1024xf32, #tpu.memory_space<hbm>> -> memref<16x1024xf32, #tpu.memory_space<hbm>>
    tpu.wait_dma2 semaphore(%arg12 : memref<!tpu.dma_semaphore, #tpu.memory_space<semaphore_mem>>) src(%arg7 : memref<16x1024xf32, #tpu.memory_space<vmem>>) dst(%dma_wait3A_158 : memref<16x1024xf32, #tpu.memory_space<hbm>>)
    %parallel_loop3A_159 = arith.constant 0 : i32
    %parallel_loop3A_160 = arith.constant 16384 : i32
    %parallel_loop3A_161 = arith.constant 16 : i32
    scf.for %parallel_loop3A_440 = %parallel_loop3A_159 to %parallel_loop3A_160 step %parallel_loop3A_161  : i32 {
      %parallel_loop3A_441 = arith.constant 10 : i32
      %parallel_loop3A_442 = arith.shrui %parallel_loop3A_440, %parallel_loop3A_441 : i32
      %parallel_loop3A_443 = arith.constant 1023 : i32
      %parallel_loop3A_444 = arith.andi %parallel_loop3A_440, %parallel_loop3A_443 : i32
      %parallel_loop3A_445 = tpu.assume_multiple %parallel_loop3A_444, 16 : i32
      %parallel_loop3A_446 = arith.constant 16 : i32
      %parallel_loop3A_447 = arith.addi %parallel_loop3A_446, %parallel_loop3A_442 : i32
      %parallel_loop3A_448 = arith.index_cast %parallel_loop3A_447 : i32 to index
      %parallel_loop3A_449 = arith.index_cast %parallel_loop3A_445 : i32 to index
      %parallel_loop3A_450 = tpu.vector_load %arg5[%parallel_loop3A_448, %parallel_loop3A_449] {strides = array<i32>} : memref<64x1024xf32, #tpu.memory_space<vmem>>, vector<1x16xf32>,
      %parallel_loop3A_451 = vector.shape_cast %parallel_loop3A_450 : vector<1x16xf32> to vector<16xf32>
      %parallel_loop3A_452 = arith.index_cast %parallel_loop3A_442 : i32 to index
      %parallel_loop3A_453 = arith.index_cast %parallel_loop3A_445 : i32 to index
      %parallel_loop3A_454 = tpu.vector_load %arg7[%parallel_loop3A_452, %parallel_loop3A_453] {strides = array<i32>} : memref<16x1024xf32, #tpu.memory_space<vmem>>, vector<1x16xf32>,
      %parallel_loop3A_455 = vector.shape_cast %parallel_loop3A_454 : vector<1x16xf32> to vector<16xf32>
      %parallel_loop3A_456 = vector.shape_cast %parallel_loop3A_451 : vector<16xf32> to vector<1x16xf32>
      tpu.vector_store %arg7[%parallel_loop3A_452, %parallel_loop3A_453], %parallel_loop3A_456 {add = true, strides = array<i32>} : memref<16x1024xf32, #tpu.memory_space<vmem>>, vector<1x16xf32>,
    } {sc.loop_unroll_factor = 8 : i64, sc.parallel_access}
    %add3A_162 = arith.constant 2048 : i32
    %add3A_163 = arith.addi %add3A_162, %mul3A_2 : i32
    %add3A_164 = arith.constant 16 : i32
    %add3A_165 = arith.addi %add3A_163, %add3A_164 : i32
    %dma_start3A_166 = arith.constant 0 : i32
    %dma_start3A_167 = tpu.memref_slice %arg4[%add3A_165, %dma_start3A_166] : memref<8192x1024xf32, #tpu.memory_space<hbm>> -> memref<16x1024xf32, #tpu.memory_space<hbm>>
    %dma_start3A_168 = arith.constant 0 : i32
    %dma_start3A_169 = tpu.memref_slice %arg4[%add3A_165, %dma_start3A_168] : memref<8192x1024xf32, #tpu.memory_space<hbm>> -> memref<16x1024xf32, #tpu.memory_space<hbm>>
    tpu.enqueue_dma source(%arg7 : memref<16x1024xf32, #tpu.memory_space<vmem>>) target(%dma_start3A_169 : memref<16x1024xf32, #tpu.memory_space<hbm>>) target_semaphore(%arg12 : memref<!tpu.dma_semaphore, #tpu.memory_space<semaphore_mem>>)
    %add3A_170 = arith.constant 2048 : i32
    %add3A_171 = arith.addi %add3A_170, %mul3A_2 : i32
    %add3A_172 = arith.constant 48 : i32
    %add3A_173 = arith.addi %add3A_171, %add3A_172 : i32
    %dma_start3A_174 = arith.constant 0 : i32
    %dma_start3A_175 = tpu.memref_slice %arg2[%add3A_173, %dma_start3A_174] : memref<8192x1024xf32, #tpu.memory_space<hbm>> -> memref<16x1024xf32, #tpu.memory_space<hbm>>
    %dma_start3A_176 = arith.constant 0 : i32
    %dma_start3A_177 = tpu.memref_slice %arg2[%add3A_173, %dma_start3A_176] : memref<8192x1024xf32, #tpu.memory_space<hbm>> -> memref<16x1024xf32, #tpu.memory_space<hbm>>
    tpu.enqueue_dma source(%dma_start3A_177 : memref<16x1024xf32, #tpu.memory_space<hbm>>) target(%arg7 : memref<16x1024xf32, #tpu.memory_space<vmem>>) target_semaphore(%arg10 : memref<!tpu.dma_semaphore, #tpu.memory_space<semaphore_mem>>)
    %dma_wait3A_178 = arith.constant 0 : i32
    %dma_wait3A_179 = tpu.memref_slice %arg2[%add3A_146, %dma_wait3A_178] : memref<8192x1024xf32, #tpu.memory_space<hbm>> -> memref<16x1024xf32, #tpu.memory_space<hbm>>
    %dma_wait3A_180 = arith.constant 0 : i32
    %dma_wait3A_181 = tpu.memref_slice %arg2[%add3A_146, %dma_wait3A_180] : memref<8192x1024xf32, #tpu.memory_space<hbm>> -> memref<16x1024xf32, #tpu.memory_space<hbm>>
    tpu.wait_dma2 semaphore(%arg9 : memref<!tpu.dma_semaphore, #tpu.memory_space<semaphore_mem>>) src(%dma_wait3A_181 : memref<16x1024xf32, #tpu.memory_space<hbm>>) dst(%arg6 : memref<16x1024xf32, #tpu.memory_space<vmem>>)
    %dma_wait3A_182 = arith.constant 0 : i32
    %dma_wait3A_183 = tpu.memref_slice %arg4[%add3A_138, %dma_wait3A_182] : memref<8192x1024xf32, #tpu.memory_space<hbm>> -> memref<16x1024xf32, #tpu.memory_space<hbm>>
    %dma_wait3A_184 = arith.constant 0 : i32
    %dma_wait3A_185 = tpu.memref_slice %arg4[%add3A_138, %dma_wait3A_184] : memref<8192x1024xf32, #tpu.memory_space<hbm>> -> memref<16x1024xf32, #tpu.memory_space<hbm>>
    tpu.wait_dma2 semaphore(%arg11 : memref<!tpu.dma_semaphore, #tpu.memory_space<semaphore_mem>>) src(%arg6 : memref<16x1024xf32, #tpu.memory_space<vmem>>) dst(%dma_wait3A_185 : memref<16x1024xf32, #tpu.memory_space<hbm>>)
    %parallel_loop3A_186 = arith.constant 0 : i32
    %parallel_loop3A_187 = arith.constant 16384 : i32
    %parallel_loop3A_188 = arith.constant 16 : i32
    scf.for %parallel_loop3A_440 = %parallel_loop3A_186 to %parallel_loop3A_187 step %parallel_loop3A_188  : i32 {
      %parallel_loop3A_441 = arith.constant 10 : i32
      %parallel_loop3A_442 = arith.shrui %parallel_loop3A_440, %parallel_loop3A_441 : i32
      %parallel_loop3A_443 = arith.constant 1023 : i32
      %parallel_loop3A_444 = arith.andi %parallel_loop3A_440, %parallel_loop3A_443 : i32
      %parallel_loop3A_445 = tpu.assume_multiple %parallel_loop3A_444, 16 : i32
      %parallel_loop3A_446 = arith.constant 32 : i32
      %parallel_loop3A_447 = arith.addi %parallel_loop3A_446, %parallel_loop3A_442 : i32
      %parallel_loop3A_448 = arith.index_cast %parallel_loop3A_447 : i32 to index
      %parallel_loop3A_449 = arith.index_cast %parallel_loop3A_445 : i32 to index
      %parallel_loop3A_450 = tpu.vector_load %arg5[%parallel_loop3A_448, %parallel_loop3A_449] {strides = array<i32>} : memref<64x1024xf32, #tpu.memory_space<vmem>>, vector<1x16xf32>,
      %parallel_loop3A_451 = vector.shape_cast %parallel_loop3A_450 : vector<1x16xf32> to vector<16xf32>
      %parallel_loop3A_452 = arith.index_cast %parallel_loop3A_442 : i32 to index
      %parallel_loop3A_453 = arith.index_cast %parallel_loop3A_445 : i32 to index
      %parallel_loop3A_454 = tpu.vector_load %arg6[%parallel_loop3A_452, %parallel_loop3A_453] {strides = array<i32>} : memref<16x1024xf32, #tpu.memory_space<vmem>>, vector<1x16xf32>,
      %parallel_loop3A_455 = vector.shape_cast %parallel_loop3A_454 : vector<1x16xf32> to vector<16xf32>
      %parallel_loop3A_456 = vector.shape_cast %parallel_loop3A_451 : vector<16xf32> to vector<1x16xf32>
      tpu.vector_store %arg6[%parallel_loop3A_452, %parallel_loop3A_453], %parallel_loop3A_456 {add = true, strides = array<i32>} : memref<16x1024xf32, #tpu.memory_space<vmem>>, vector<1x16xf32>,
    } {sc.loop_unroll_factor = 8 : i64, sc.parallel_access}
    %add3A_189 = arith.constant 2048 : i32
    %add3A_190 = arith.addi %add3A_189, %mul3A_2 : i32
    %add3A_191 = arith.constant 32 : i32
    %add3A_192 = arith.addi %add3A_190, %add3A_191 : i32
    %dma_start3A_193 = arith.constant 0 : i32
    %dma_start3A_194 = tpu.memref_slice %arg4[%add3A_192, %dma_start3A_193] : memref<8192x1024xf32, #tpu.memory_space<hbm>> -> memref<16x1024xf32, #tpu.memory_space<hbm>>
    %dma_start3A_195 = arith.constant 0 : i32
    %dma_start3A_196 = tpu.memref_slice %arg4[%add3A_192, %dma_start3A_195] : memref<8192x1024xf32, #tpu.memory_space<hbm>> -> memref<16x1024xf32, #tpu.memory_space<hbm>>
    tpu.enqueue_dma source(%arg6 : memref<16x1024xf32, #tpu.memory_space<vmem>>) target(%dma_start3A_196 : memref<16x1024xf32, #tpu.memory_space<hbm>>) target_semaphore(%arg11 : memref<!tpu.dma_semaphore, #tpu.memory_space<semaphore_mem>>)
    %add3A_197 = arith.constant 4096 : i32
    %add3A_198 = arith.addi %add3A_197, %mul3A_2 : i32
    %add3A_199 = arith.constant 0 : i32
    %add3A_200 = arith.addi %add3A_198, %add3A_199 : i32
    %dma_start3A_201 = arith.constant 0 : i32
    %dma_start3A_202 = tpu.memref_slice %arg2[%add3A_200, %dma_start3A_201] : memref<8192x1024xf32, #tpu.memory_space<hbm>> -> memref<16x1024xf32, #tpu.memory_space<hbm>>
    %dma_start3A_203 = arith.constant 0 : i32
    %dma_start3A_204 = tpu.memref_slice %arg2[%add3A_200, %dma_start3A_203] : memref<8192x1024xf32, #tpu.memory_space<hbm>> -> memref<16x1024xf32, #tpu.memory_space<hbm>>
    tpu.enqueue_dma source(%dma_start3A_204 : memref<16x1024xf32, #tpu.memory_space<hbm>>) target(%arg6 : memref<16x1024xf32, #tpu.memory_space<vmem>>) target_semaphore(%arg9 : memref<!tpu.dma_semaphore, #tpu.memory_space<semaphore_mem>>)
    %dma_wait3A_205 = arith.constant 0 : i32
    %dma_wait3A_206 = tpu.memref_slice %arg2[%add3A_173, %dma_wait3A_205] : memref<8192x1024xf32, #tpu.memory_space<hbm>> -> memref<16x1024xf32, #tpu.memory_space<hbm>>
    %dma_wait3A_207 = arith.constant 0 : i32
    %dma_wait3A_208 = tpu.memref_slice %arg2[%add3A_173, %dma_wait3A_207] : memref<8192x1024xf32, #tpu.memory_space<hbm>> -> memref<16x1024xf32, #tpu.memory_space<hbm>>
    tpu.wait_dma2 semaphore(%arg10 : memref<!tpu.dma_semaphore, #tpu.memory_space<semaphore_mem>>) src(%dma_wait3A_208 : memref<16x1024xf32, #tpu.memory_space<hbm>>) dst(%arg7 : memref<16x1024xf32, #tpu.memory_space<vmem>>)
    %dma_wait3A_209 = arith.constant 0 : i32
    %dma_wait3A_210 = tpu.memref_slice %arg4[%add3A_165, %dma_wait3A_209] : memref<8192x1024xf32, #tpu.memory_space<hbm>> -> memref<16x1024xf32, #tpu.memory_space<hbm>>
    %dma_wait3A_211 = arith.constant 0 : i32
    %dma_wait3A_212 = tpu.memref_slice %arg4[%add3A_165, %dma_wait3A_211] : memref<8192x1024xf32, #tpu.memory_space<hbm>> -> memref<16x1024xf32, #tpu.memory_space<hbm>>
    tpu.wait_dma2 semaphore(%arg12 : memref<!tpu.dma_semaphore, #tpu.memory_space<semaphore_mem>>) src(%arg7 : memref<16x1024xf32, #tpu.memory_space<vmem>>) dst(%dma_wait3A_212 : memref<16x1024xf32, #tpu.memory_space<hbm>>)
    %parallel_loop3A_213 = arith.constant 0 : i32
    %parallel_loop3A_214 = arith.constant 16384 : i32
    %parallel_loop3A_215 = arith.constant 16 : i32
    scf.for %parallel_loop3A_440 = %parallel_loop3A_213 to %parallel_loop3A_214 step %parallel_loop3A_215  : i32 {
      %parallel_loop3A_441 = arith.constant 10 : i32
      %parallel_loop3A_442 = arith.shrui %parallel_loop3A_440, %parallel_loop3A_441 : i32
      %parallel_loop3A_443 = arith.constant 1023 : i32
      %parallel_loop3A_444 = arith.andi %parallel_loop3A_440, %parallel_loop3A_443 : i32
      %parallel_loop3A_445 = tpu.assume_multiple %parallel_loop3A_444, 16 : i32
      %parallel_loop3A_446 = arith.constant 48 : i32
      %parallel_loop3A_447 = arith.addi %parallel_loop3A_446, %parallel_loop3A_442 : i32
      %parallel_loop3A_448 = arith.index_cast %parallel_loop3A_447 : i32 to index
      %parallel_loop3A_449 = arith.index_cast %parallel_loop3A_445 : i32 to index
      %parallel_loop3A_450 = tpu.vector_load %arg5[%parallel_loop3A_448, %parallel_loop3A_449] {strides = array<i32>} : memref<64x1024xf32, #tpu.memory_space<vmem>>, vector<1x16xf32>,
      %parallel_loop3A_451 = vector.shape_cast %parallel_loop3A_450 : vector<1x16xf32> to vector<16xf32>
      %parallel_loop3A_452 = arith.index_cast %parallel_loop3A_442 : i32 to index
      %parallel_loop3A_453 = arith.index_cast %parallel_loop3A_445 : i32 to index
      %parallel_loop3A_454 = tpu.vector_load %arg7[%parallel_loop3A_452, %parallel_loop3A_453] {strides = array<i32>} : memref<16x1024xf32, #tpu.memory_space<vmem>>, vector<1x16xf32>,
      %parallel_loop3A_455 = vector.shape_cast %parallel_loop3A_454 : vector<1x16xf32> to vector<16xf32>
      %parallel_loop3A_456 = vector.shape_cast %parallel_loop3A_451 : vector<16xf32> to vector<1x16xf32>
      tpu.vector_store %arg7[%parallel_loop3A_452, %parallel_loop3A_453], %parallel_loop3A_456 {add = true, strides = array<i32>} : memref<16x1024xf32, #tpu.memory_space<vmem>>, vector<1x16xf32>,
    } {sc.loop_unroll_factor = 8 : i64, sc.parallel_access}
    %add3A_216 = arith.constant 2048 : i32
    %add3A_217 = arith.addi %add3A_216, %mul3A_2 : i32
    %add3A_218 = arith.constant 48 : i32
    %add3A_219 = arith.addi %add3A_217, %add3A_218 : i32
    %dma_start3A_220 = arith.constant 0 : i32
    %dma_start3A_221 = tpu.memref_slice %arg4[%add3A_219, %dma_start3A_220] : memref<8192x1024xf32, #tpu.memory_space<hbm>> -> memref<16x1024xf32, #tpu.memory_space<hbm>>
    %dma_start3A_222 = arith.constant 0 : i32
    %dma_start3A_223 = tpu.memref_slice %arg4[%add3A_219, %dma_start3A_222] : memref<8192x1024xf32, #tpu.memory_space<hbm>> -> memref<16x1024xf32, #tpu.memory_space<hbm>>
    tpu.enqueue_dma source(%arg7 : memref<16x1024xf32, #tpu.memory_space<vmem>>) target(%dma_start3A_223 : memref<16x1024xf32, #tpu.memory_space<hbm>>) target_semaphore(%arg12 : memref<!tpu.dma_semaphore, #tpu.memory_space<semaphore_mem>>)
    %add3A_224 = arith.constant 4096 : i32
    %add3A_225 = arith.addi %add3A_224, %mul3A_2 : i32
    %add3A_226 = arith.constant 16 : i32
    %add3A_227 = arith.addi %add3A_225, %add3A_226 : i32
    %dma_start3A_228 = arith.constant 0 : i32
    %dma_start3A_229 = tpu.memref_slice %arg2[%add3A_227, %dma_start3A_228] : memref<8192x1024xf32, #tpu.memory_space<hbm>> -> memref<16x1024xf32, #tpu.memory_space<hbm>>
    %dma_start3A_230 = arith.constant 0 : i32
    %dma_start3A_231 = tpu.memref_slice %arg2[%add3A_227, %dma_start3A_230] : memref<8192x1024xf32, #tpu.memory_space<hbm>> -> memref<16x1024xf32, #tpu.memory_space<hbm>>
    tpu.enqueue_dma source(%dma_start3A_231 : memref<16x1024xf32, #tpu.memory_space<hbm>>) target(%arg7 : memref<16x1024xf32, #tpu.memory_space<vmem>>) target_semaphore(%arg10 : memref<!tpu.dma_semaphore, #tpu.memory_space<semaphore_mem>>)
    %dma_wait3A_232 = arith.constant 0 : i32
    %dma_wait3A_233 = tpu.memref_slice %arg2[%add3A_200, %dma_wait3A_232] : memref<8192x1024xf32, #tpu.memory_space<hbm>> -> memref<16x1024xf32, #tpu.memory_space<hbm>>
    %dma_wait3A_234 = arith.constant 0 : i32
    %dma_wait3A_235 = tpu.memref_slice %arg2[%add3A_200, %dma_wait3A_234] : memref<8192x1024xf32, #tpu.memory_space<hbm>> -> memref<16x1024xf32, #tpu.memory_space<hbm>>
    tpu.wait_dma2 semaphore(%arg9 : memref<!tpu.dma_semaphore, #tpu.memory_space<semaphore_mem>>) src(%dma_wait3A_235 : memref<16x1024xf32, #tpu.memory_space<hbm>>) dst(%arg6 : memref<16x1024xf32, #tpu.memory_space<vmem>>)
    %dma_wait3A_236 = arith.constant 0 : i32
    %dma_wait3A_237 = tpu.memref_slice %arg4[%add3A_192, %dma_wait3A_236] : memref<8192x1024xf32, #tpu.memory_space<hbm>> -> memref<16x1024xf32, #tpu.memory_space<hbm>>
    %dma_wait3A_238 = arith.constant 0 : i32
    %dma_wait3A_239 = tpu.memref_slice %arg4[%add3A_192, %dma_wait3A_238] : memref<8192x1024xf32, #tpu.memory_space<hbm>> -> memref<16x1024xf32, #tpu.memory_space<hbm>>
    tpu.wait_dma2 semaphore(%arg11 : memref<!tpu.dma_semaphore, #tpu.memory_space<semaphore_mem>>) src(%arg6 : memref<16x1024xf32, #tpu.memory_space<vmem>>) dst(%dma_wait3A_239 : memref<16x1024xf32, #tpu.memory_space<hbm>>)
    %parallel_loop3A_240 = arith.constant 0 : i32
    %parallel_loop3A_241 = arith.constant 16384 : i32
    %parallel_loop3A_242 = arith.constant 16 : i32
    scf.for %parallel_loop3A_440 = %parallel_loop3A_240 to %parallel_loop3A_241 step %parallel_loop3A_242  : i32 {
      %parallel_loop3A_441 = arith.constant 10 : i32
      %parallel_loop3A_442 = arith.shrui %parallel_loop3A_440, %parallel_loop3A_441 : i32
      %parallel_loop3A_443 = arith.constant 1023 : i32
      %parallel_loop3A_444 = arith.andi %parallel_loop3A_440, %parallel_loop3A_443 : i32
      %parallel_loop3A_445 = tpu.assume_multiple %parallel_loop3A_444, 16 : i32
      %parallel_loop3A_446 = arith.constant 0 : i32
      %parallel_loop3A_447 = arith.addi %parallel_loop3A_446, %parallel_loop3A_442 : i32
      %parallel_loop3A_448 = arith.index_cast %parallel_loop3A_447 : i32 to index
      %parallel_loop3A_449 = arith.index_cast %parallel_loop3A_445 : i32 to index
      %parallel_loop3A_450 = tpu.vector_load %arg5[%parallel_loop3A_448, %parallel_loop3A_449] {strides = array<i32>} : memref<64x1024xf32, #tpu.memory_space<vmem>>, vector<1x16xf32>,
      %parallel_loop3A_451 = vector.shape_cast %parallel_loop3A_450 : vector<1x16xf32> to vector<16xf32>
      %parallel_loop3A_452 = arith.index_cast %parallel_loop3A_442 : i32 to index
      %parallel_loop3A_453 = arith.index_cast %parallel_loop3A_445 : i32 to index
      %parallel_loop3A_454 = tpu.vector_load %arg6[%parallel_loop3A_452, %parallel_loop3A_453] {strides = array<i32>} : memref<16x1024xf32, #tpu.memory_space<vmem>>, vector<1x16xf32>,
      %parallel_loop3A_455 = vector.shape_cast %parallel_loop3A_454 : vector<1x16xf32> to vector<16xf32>
      %parallel_loop3A_456 = vector.shape_cast %parallel_loop3A_451 : vector<16xf32> to vector<1x16xf32>
      tpu.vector_store %arg6[%parallel_loop3A_452, %parallel_loop3A_453], %parallel_loop3A_456 {add = true, strides = array<i32>} : memref<16x1024xf32, #tpu.memory_space<vmem>>, vector<1x16xf32>,
    } {sc.loop_unroll_factor = 8 : i64, sc.parallel_access}
    %add3A_243 = arith.constant 4096 : i32
    %add3A_244 = arith.addi %add3A_243, %mul3A_2 : i32
    %add3A_245 = arith.constant 0 : i32
    %add3A_246 = arith.addi %add3A_244, %add3A_245 : i32
    %dma_start3A_247 = arith.constant 0 : i32
    %dma_start3A_248 = tpu.memref_slice %arg4[%add3A_246, %dma_start3A_247] : memref<8192x1024xf32, #tpu.memory_space<hbm>> -> memref<16x1024xf32, #tpu.memory_space<hbm>>
    %dma_start3A_249 = arith.constant 0 : i32
    %dma_start3A_250 = tpu.memref_slice %arg4[%add3A_246, %dma_start3A_249] : memref<8192x1024xf32, #tpu.memory_space<hbm>> -> memref<16x1024xf32, #tpu.memory_space<hbm>>
    tpu.enqueue_dma source(%arg6 : memref<16x1024xf32, #tpu.memory_space<vmem>>) target(%dma_start3A_250 : memref<16x1024xf32, #tpu.memory_space<hbm>>) target_semaphore(%arg11 : memref<!tpu.dma_semaphore, #tpu.memory_space<semaphore_mem>>)
    %add3A_251 = arith.constant 4096 : i32
    %add3A_252 = arith.addi %add3A_251, %mul3A_2 : i32
    %add3A_253 = arith.constant 32 : i32
    %add3A_254 = arith.addi %add3A_252, %add3A_253 : i32
    %dma_start3A_255 = arith.constant 0 : i32
    %dma_start3A_256 = tpu.memref_slice %arg2[%add3A_254, %dma_start3A_255] : memref<8192x1024xf32, #tpu.memory_space<hbm>> -> memref<16x1024xf32, #tpu.memory_space<hbm>>
    %dma_start3A_257 = arith.constant 0 : i32
    %dma_start3A_258 = tpu.memref_slice %arg2[%add3A_254, %dma_start3A_257] : memref<8192x1024xf32, #tpu.memory_space<hbm>> -> memref<16x1024xf32, #tpu.memory_space<hbm>>
    tpu.enqueue_dma source(%dma_start3A_258 : memref<16x1024xf32, #tpu.memory_space<hbm>>) target(%arg6 : memref<16x1024xf32, #tpu.memory_space<vmem>>) target_semaphore(%arg9 : memref<!tpu.dma_semaphore, #tpu.memory_space<semaphore_mem>>)
    %dma_wait3A_259 = arith.constant 0 : i32
    %dma_wait3A_260 = tpu.memref_slice %arg2[%add3A_227, %dma_wait3A_259] : memref<8192x1024xf32, #tpu.memory_space<hbm>> -> memref<16x1024xf32, #tpu.memory_space<hbm>>
    %dma_wait3A_261 = arith.constant 0 : i32
    %dma_wait3A_262 = tpu.memref_slice %arg2[%add3A_227, %dma_wait3A_261] : memref<8192x1024xf32, #tpu.memory_space<hbm>> -> memref<16x1024xf32, #tpu.memory_space<hbm>>
    tpu.wait_dma2 semaphore(%arg10 : memref<!tpu.dma_semaphore, #tpu.memory_space<semaphore_mem>>) src(%dma_wait3A_262 : memref<16x1024xf32, #tpu.memory_space<hbm>>) dst(%arg7 : memref<16x1024xf32, #tpu.memory_space<vmem>>)
    %dma_wait3A_263 = arith.constant 0 : i32
    %dma_wait3A_264 = tpu.memref_slice %arg4[%add3A_219, %dma_wait3A_263] : memref<8192x1024xf32, #tpu.memory_space<hbm>> -> memref<16x1024xf32, #tpu.memory_space<hbm>>
    %dma_wait3A_265 = arith.constant 0 : i32
    %dma_wait3A_266 = tpu.memref_slice %arg4[%add3A_219, %dma_wait3A_265] : memref<8192x1024xf32, #tpu.memory_space<hbm>> -> memref<16x1024xf32, #tpu.memory_space<hbm>>
    tpu.wait_dma2 semaphore(%arg12 : memref<!tpu.dma_semaphore, #tpu.memory_space<semaphore_mem>>) src(%arg7 : memref<16x1024xf32, #tpu.memory_space<vmem>>) dst(%dma_wait3A_266 : memref<16x1024xf32, #tpu.memory_space<hbm>>)
    %parallel_loop3A_267 = arith.constant 0 : i32
    %parallel_loop3A_268 = arith.constant 16384 : i32
    %parallel_loop3A_269 = arith.constant 16 : i32
    scf.for %parallel_loop3A_440 = %parallel_loop3A_267 to %parallel_loop3A_268 step %parallel_loop3A_269  : i32 {
      %parallel_loop3A_441 = arith.constant 10 : i32
      %parallel_loop3A_442 = arith.shrui %parallel_loop3A_440, %parallel_loop3A_441 : i32
      %parallel_loop3A_443 = arith.constant 1023 : i32
      %parallel_loop3A_444 = arith.andi %parallel_loop3A_440, %parallel_loop3A_443 : i32
      %parallel_loop3A_445 = tpu.assume_multiple %parallel_loop3A_444, 16 : i32
      %parallel_loop3A_446 = arith.constant 16 : i32
      %parallel_loop3A_447 = arith.addi %parallel_loop3A_446, %parallel_loop3A_442 : i32
      %parallel_loop3A_448 = arith.index_cast %parallel_loop3A_447 : i32 to index
      %parallel_loop3A_449 = arith.index_cast %parallel_loop3A_445 : i32 to index
      %parallel_loop3A_450 = tpu.vector_load %arg5[%parallel_loop3A_448, %parallel_loop3A_449] {strides = array<i32>} : memref<64x1024xf32, #tpu.memory_space<vmem>>, vector<1x16xf32>,
      %parallel_loop3A_451 = vector.shape_cast %parallel_loop3A_450 : vector<1x16xf32> to vector<16xf32>
      %parallel_loop3A_452 = arith.index_cast %parallel_loop3A_442 : i32 to index
      %parallel_loop3A_453 = arith.index_cast %parallel_loop3A_445 : i32 to index
      %parallel_loop3A_454 = tpu.vector_load %arg7[%parallel_loop3A_452, %parallel_loop3A_453] {strides = array<i32>} : memref<16x1024xf32, #tpu.memory_space<vmem>>, vector<1x16xf32>,
      %parallel_loop3A_455 = vector.shape_cast %parallel_loop3A_454 : vector<1x16xf32> to vector<16xf32>
      %parallel_loop3A_456 = vector.shape_cast %parallel_loop3A_451 : vector<16xf32> to vector<1x16xf32>
      tpu.vector_store %arg7[%parallel_loop3A_452, %parallel_loop3A_453], %parallel_loop3A_456 {add = true, strides = array<i32>} : memref<16x1024xf32, #tpu.memory_space<vmem>>, vector<1x16xf32>,
    } {sc.loop_unroll_factor = 8 : i64, sc.parallel_access}
    %add3A_270 = arith.constant 4096 : i32
    %add3A_271 = arith.addi %add3A_270, %mul3A_2 : i32
    %add3A_272 = arith.constant 16 : i32
    %add3A_273 = arith.addi %add3A_271, %add3A_272 : i32
    %dma_start3A_274 = arith.constant 0 : i32
    %dma_start3A_275 = tpu.memref_slice %arg4[%add3A_273, %dma_start3A_274] : memref<8192x1024xf32, #tpu.memory_space<hbm>> -> memref<16x1024xf32, #tpu.memory_space<hbm>>
    %dma_start3A_276 = arith.constant 0 : i32
    %dma_start3A_277 = tpu.memref_slice %arg4[%add3A_273, %dma_start3A_276] : memref<8192x1024xf32, #tpu.memory_space<hbm>> -> memref<16x1024xf32, #tpu.memory_space<hbm>>
    tpu.enqueue_dma source(%arg7 : memref<16x1024xf32, #tpu.memory_space<vmem>>) target(%dma_start3A_277 : memref<16x1024xf32, #tpu.memory_space<hbm>>) target_semaphore(%arg12 : memref<!tpu.dma_semaphore, #tpu.memory_space<semaphore_mem>>)
    %add3A_278 = arith.constant 4096 : i32
    %add3A_279 = arith.addi %add3A_278, %mul3A_2 : i32
    %add3A_280 = arith.constant 48 : i32
    %add3A_281 = arith.addi %add3A_279, %add3A_280 : i32
    %dma_start3A_282 = arith.constant 0 : i32
    %dma_start3A_283 = tpu.memref_slice %arg2[%add3A_281, %dma_start3A_282] : memref<8192x1024xf32, #tpu.memory_space<hbm>> -> memref<16x1024xf32, #tpu.memory_space<hbm>>
    %dma_start3A_284 = arith.constant 0 : i32
    %dma_start3A_285 = tpu.memref_slice %arg2[%add3A_281, %dma_start3A_284] : memref<8192x1024xf32, #tpu.memory_space<hbm>> -> memref<16x1024xf32, #tpu.memory_space<hbm>>
    tpu.enqueue_dma source(%dma_start3A_285 : memref<16x1024xf32, #tpu.memory_space<hbm>>) target(%arg7 : memref<16x1024xf32, #tpu.memory_space<vmem>>) target_semaphore(%arg10 : memref<!tpu.dma_semaphore, #tpu.memory_space<semaphore_mem>>)
    %dma_wait3A_286 = arith.constant 0 : i32
    %dma_wait3A_287 = tpu.memref_slice %arg2[%add3A_254, %dma_wait3A_286] : memref<8192x1024xf32, #tpu.memory_space<hbm>> -> memref<16x1024xf32, #tpu.memory_space<hbm>>
    %dma_wait3A_288 = arith.constant 0 : i32
    %dma_wait3A_289 = tpu.memref_slice %arg2[%add3A_254, %dma_wait3A_288] : memref<8192x1024xf32, #tpu.memory_space<hbm>> -> memref<16x1024xf32, #tpu.memory_space<hbm>>
    tpu.wait_dma2 semaphore(%arg9 : memref<!tpu.dma_semaphore, #tpu.memory_space<semaphore_mem>>) src(%dma_wait3A_289 : memref<16x1024xf32, #tpu.memory_space<hbm>>) dst(%arg6 : memref<16x1024xf32, #tpu.memory_space<vmem>>)
    %dma_wait3A_290 = arith.constant 0 : i32
    %dma_wait3A_291 = tpu.memref_slice %arg4[%add3A_246, %dma_wait3A_290] : memref<8192x1024xf32, #tpu.memory_space<hbm>> -> memref<16x1024xf32, #tpu.memory_space<hbm>>
    %dma_wait3A_292 = arith.constant 0 : i32
    %dma_wait3A_293 = tpu.memref_slice %arg4[%add3A_246, %dma_wait3A_292] : memref<8192x1024xf32, #tpu.memory_space<hbm>> -> memref<16x1024xf32, #tpu.memory_space<hbm>>
    tpu.wait_dma2 semaphore(%arg11 : memref<!tpu.dma_semaphore, #tpu.memory_space<semaphore_mem>>) src(%arg6 : memref<16x1024xf32, #tpu.memory_space<vmem>>) dst(%dma_wait3A_293 : memref<16x1024xf32, #tpu.memory_space<hbm>>)
    %parallel_loop3A_294 = arith.constant 0 : i32
    %parallel_loop3A_295 = arith.constant 16384 : i32
    %parallel_loop3A_296 = arith.constant 16 : i32
    scf.for %parallel_loop3A_440 = %parallel_loop3A_294 to %parallel_loop3A_295 step %parallel_loop3A_296  : i32 {
      %parallel_loop3A_441 = arith.constant 10 : i32
      %parallel_loop3A_442 = arith.shrui %parallel_loop3A_440, %parallel_loop3A_441 : i32
      %parallel_loop3A_443 = arith.constant 1023 : i32
      %parallel_loop3A_444 = arith.andi %parallel_loop3A_440, %parallel_loop3A_443 : i32
      %parallel_loop3A_445 = tpu.assume_multiple %parallel_loop3A_444, 16 : i32
      %parallel_loop3A_446 = arith.constant 32 : i32
      %parallel_loop3A_447 = arith.addi %parallel_loop3A_446, %parallel_loop3A_442 : i32
      %parallel_loop3A_448 = arith.index_cast %parallel_loop3A_447 : i32 to index
      %parallel_loop3A_449 = arith.index_cast %parallel_loop3A_445 : i32 to index
      %parallel_loop3A_450 = tpu.vector_load %arg5[%parallel_loop3A_448, %parallel_loop3A_449] {strides = array<i32>} : memref<64x1024xf32, #tpu.memory_space<vmem>>, vector<1x16xf32>,
      %parallel_loop3A_451 = vector.shape_cast %parallel_loop3A_450 : vector<1x16xf32> to vector<16xf32>
      %parallel_loop3A_452 = arith.index_cast %parallel_loop3A_442 : i32 to index
      %parallel_loop3A_453 = arith.index_cast %parallel_loop3A_445 : i32 to index
      %parallel_loop3A_454 = tpu.vector_load %arg6[%parallel_loop3A_452, %parallel_loop3A_453] {strides = array<i32>} : memref<16x1024xf32, #tpu.memory_space<vmem>>, vector<1x16xf32>,
      %parallel_loop3A_455 = vector.shape_cast %parallel_loop3A_454 : vector<1x16xf32> to vector<16xf32>
      %parallel_loop3A_456 = vector.shape_cast %parallel_loop3A_451 : vector<16xf32> to vector<1x16xf32>
      tpu.vector_store %arg6[%parallel_loop3A_452, %parallel_loop3A_453], %parallel_loop3A_456 {add = true, strides = array<i32>} : memref<16x1024xf32, #tpu.memory_space<vmem>>, vector<1x16xf32>,
    } {sc.loop_unroll_factor = 8 : i64, sc.parallel_access}
    %add3A_297 = arith.constant 4096 : i32
    %add3A_298 = arith.addi %add3A_297, %mul3A_2 : i32
    %add3A_299 = arith.constant 32 : i32
    %add3A_300 = arith.addi %add3A_298, %add3A_299 : i32
    %dma_start3A_301 = arith.constant 0 : i32
    %dma_start3A_302 = tpu.memref_slice %arg4[%add3A_300, %dma_start3A_301] : memref<8192x1024xf32, #tpu.memory_space<hbm>> -> memref<16x1024xf32, #tpu.memory_space<hbm>>
    %dma_start3A_303 = arith.constant 0 : i32
    %dma_start3A_304 = tpu.memref_slice %arg4[%add3A_300, %dma_start3A_303] : memref<8192x1024xf32, #tpu.memory_space<hbm>> -> memref<16x1024xf32, #tpu.memory_space<hbm>>
    tpu.enqueue_dma source(%arg6 : memref<16x1024xf32, #tpu.memory_space<vmem>>) target(%dma_start3A_304 : memref<16x1024xf32, #tpu.memory_space<hbm>>) target_semaphore(%arg11 : memref<!tpu.dma_semaphore, #tpu.memory_space<semaphore_mem>>)
    %add3A_305 = arith.constant 6144 : i32
    %add3A_306 = arith.addi %add3A_305, %mul3A_2 : i32
    %add3A_307 = arith.constant 0 : i32
    %add3A_308 = arith.addi %add3A_306, %add3A_307 : i32
    %dma_start3A_309 = arith.constant 0 : i32
    %dma_start3A_310 = tpu.memref_slice %arg2[%add3A_308, %dma_start3A_309] : memref<8192x1024xf32, #tpu.memory_space<hbm>> -> memref<16x1024xf32, #tpu.memory_space<hbm>>
    %dma_start3A_311 = arith.constant 0 : i32
    %dma_start3A_312 = tpu.memref_slice %arg2[%add3A_308, %dma_start3A_311] : memref<8192x1024xf32, #tpu.memory_space<hbm>> -> memref<16x1024xf32, #tpu.memory_space<hbm>>
    tpu.enqueue_dma source(%dma_start3A_312 : memref<16x1024xf32, #tpu.memory_space<hbm>>) target(%arg6 : memref<16x1024xf32, #tpu.memory_space<vmem>>) target_semaphore(%arg9 : memref<!tpu.dma_semaphore, #tpu.memory_space<semaphore_mem>>)
    %dma_wait3A_313 = arith.constant 0 : i32
    %dma_wait3A_314 = tpu.memref_slice %arg2[%add3A_281, %dma_wait3A_313] : memref<8192x1024xf32, #tpu.memory_space<hbm>> -> memref<16x1024xf32, #tpu.memory_space<hbm>>
    %dma_wait3A_315 = arith.constant 0 : i32
    %dma_wait3A_316 = tpu.memref_slice %arg2[%add3A_281, %dma_wait3A_315] : memref<8192x1024xf32, #tpu.memory_space<hbm>> -> memref<16x1024xf32, #tpu.memory_space<hbm>>
    tpu.wait_dma2 semaphore(%arg10 : memref<!tpu.dma_semaphore, #tpu.memory_space<semaphore_mem>>) src(%dma_wait3A_316 : memref<16x1024xf32, #tpu.memory_space<hbm>>) dst(%arg7 : memref<16x1024xf32, #tpu.memory_space<vmem>>)
    %dma_wait3A_317 = arith.constant 0 : i32
    %dma_wait3A_318 = tpu.memref_slice %arg4[%add3A_273, %dma_wait3A_317] : memref<8192x1024xf32, #tpu.memory_space<hbm>> -> memref<16x1024xf32, #tpu.memory_space<hbm>>
    %dma_wait3A_319 = arith.constant 0 : i32
    %dma_wait3A_320 = tpu.memref_slice %arg4[%add3A_273, %dma_wait3A_319] : memref<8192x1024xf32, #tpu.memory_space<hbm>> -> memref<16x1024xf32, #tpu.memory_space<hbm>>
    tpu.wait_dma2 semaphore(%arg12 : memref<!tpu.dma_semaphore, #tpu.memory_space<semaphore_mem>>) src(%arg7 : memref<16x1024xf32, #tpu.memory_space<vmem>>) dst(%dma_wait3A_320 : memref<16x1024xf32, #tpu.memory_space<hbm>>)
    %parallel_loop3A_321 = arith.constant 0 : i32
    %parallel_loop3A_322 = arith.constant 16384 : i32
    %parallel_loop3A_323 = arith.constant 16 : i32
    scf.for %parallel_loop3A_440 = %parallel_loop3A_321 to %parallel_loop3A_322 step %parallel_loop3A_323  : i32 {
      %parallel_loop3A_441 = arith.constant 10 : i32
      %parallel_loop3A_442 = arith.shrui %parallel_loop3A_440, %parallel_loop3A_441 : i32
      %parallel_loop3A_443 = arith.constant 1023 : i32
      %parallel_loop3A_444 = arith.andi %parallel_loop3A_440, %parallel_loop3A_443 : i32
      %parallel_loop3A_445 = tpu.assume_multiple %parallel_loop3A_444, 16 : i32
      %parallel_loop3A_446 = arith.constant 48 : i32
      %parallel_loop3A_447 = arith.addi %parallel_loop3A_446, %parallel_loop3A_442 : i32
      %parallel_loop3A_448 = arith.index_cast %parallel_loop3A_447 : i32 to index
      %parallel_loop3A_449 = arith.index_cast %parallel_loop3A_445 : i32 to index
      %parallel_loop3A_450 = tpu.vector_load %arg5[%parallel_loop3A_448, %parallel_loop3A_449] {strides = array<i32>} : memref<64x1024xf32, #tpu.memory_space<vmem>>, vector<1x16xf32>,
      %parallel_loop3A_451 = vector.shape_cast %parallel_loop3A_450 : vector<1x16xf32> to vector<16xf32>
      %parallel_loop3A_452 = arith.index_cast %parallel_loop3A_442 : i32 to index
      %parallel_loop3A_453 = arith.index_cast %parallel_loop3A_445 : i32 to index
      %parallel_loop3A_454 = tpu.vector_load %arg7[%parallel_loop3A_452, %parallel_loop3A_453] {strides = array<i32>} : memref<16x1024xf32, #tpu.memory_space<vmem>>, vector<1x16xf32>,
      %parallel_loop3A_455 = vector.shape_cast %parallel_loop3A_454 : vector<1x16xf32> to vector<16xf32>
      %parallel_loop3A_456 = vector.shape_cast %parallel_loop3A_451 : vector<16xf32> to vector<1x16xf32>
      tpu.vector_store %arg7[%parallel_loop3A_452, %parallel_loop3A_453], %parallel_loop3A_456 {add = true, strides = array<i32>} : memref<16x1024xf32, #tpu.memory_space<vmem>>, vector<1x16xf32>,
    } {sc.loop_unroll_factor = 8 : i64, sc.parallel_access}
    %add3A_324 = arith.constant 4096 : i32
    %add3A_325 = arith.addi %add3A_324, %mul3A_2 : i32
    %add3A_326 = arith.constant 48 : i32
    %add3A_327 = arith.addi %add3A_325, %add3A_326 : i32
    %dma_start3A_328 = arith.constant 0 : i32
    %dma_start3A_329 = tpu.memref_slice %arg4[%add3A_327, %dma_start3A_328] : memref<8192x1024xf32, #tpu.memory_space<hbm>> -> memref<16x1024xf32, #tpu.memory_space<hbm>>
    %dma_start3A_330 = arith.constant 0 : i32
    %dma_start3A_331 = tpu.memref_slice %arg4[%add3A_327, %dma_start3A_330] : memref<8192x1024xf32, #tpu.memory_space<hbm>> -> memref<16x1024xf32, #tpu.memory_space<hbm>>
    tpu.enqueue_dma source(%arg7 : memref<16x1024xf32, #tpu.memory_space<vmem>>) target(%dma_start3A_331 : memref<16x1024xf32, #tpu.memory_space<hbm>>) target_semaphore(%arg12 : memref<!tpu.dma_semaphore, #tpu.memory_space<semaphore_mem>>)
    %add3A_332 = arith.constant 6144 : i32
    %add3A_333 = arith.addi %add3A_332, %mul3A_2 : i32
    %add3A_334 = arith.constant 16 : i32
    %add3A_335 = arith.addi %add3A_333, %add3A_334 : i32
    %dma_start3A_336 = arith.constant 0 : i32
    %dma_start3A_337 = tpu.memref_slice %arg2[%add3A_335, %dma_start3A_336] : memref<8192x1024xf32, #tpu.memory_space<hbm>> -> memref<16x1024xf32, #tpu.memory_space<hbm>>
    %dma_start3A_338 = arith.constant 0 : i32
    %dma_start3A_339 = tpu.memref_slice %arg2[%add3A_335, %dma_start3A_338] : memref<8192x1024xf32, #tpu.memory_space<hbm>> -> memref<16x1024xf32, #tpu.memory_space<hbm>>
    tpu.enqueue_dma source(%dma_start3A_339 : memref<16x1024xf32, #tpu.memory_space<hbm>>) target(%arg7 : memref<16x1024xf32, #tpu.memory_space<vmem>>) target_semaphore(%arg10 : memref<!tpu.dma_semaphore, #tpu.memory_space<semaphore_mem>>)
    %dma_wait3A_340 = arith.constant 0 : i32
    %dma_wait3A_341 = tpu.memref_slice %arg2[%add3A_308, %dma_wait3A_340] : memref<8192x1024xf32, #tpu.memory_space<hbm>> -> memref<16x1024xf32, #tpu.memory_space<hbm>>
    %dma_wait3A_342 = arith.constant 0 : i32
    %dma_wait3A_343 = tpu.memref_slice %arg2[%add3A_308, %dma_wait3A_342] : memref<8192x1024xf32, #tpu.memory_space<hbm>> -> memref<16x1024xf32, #tpu.memory_space<hbm>>
    tpu.wait_dma2 semaphore(%arg9 : memref<!tpu.dma_semaphore, #tpu.memory_space<semaphore_mem>>) src(%dma_wait3A_343 : memref<16x1024xf32, #tpu.memory_space<hbm>>) dst(%arg6 : memref<16x1024xf32, #tpu.memory_space<vmem>>)
    %dma_wait3A_344 = arith.constant 0 : i32
    %dma_wait3A_345 = tpu.memref_slice %arg4[%add3A_300, %dma_wait3A_344] : memref<8192x1024xf32, #tpu.memory_space<hbm>> -> memref<16x1024xf32, #tpu.memory_space<hbm>>
    %dma_wait3A_346 = arith.constant 0 : i32
    %dma_wait3A_347 = tpu.memref_slice %arg4[%add3A_300, %dma_wait3A_346] : memref<8192x1024xf32, #tpu.memory_space<hbm>> -> memref<16x1024xf32, #tpu.memory_space<hbm>>
    tpu.wait_dma2 semaphore(%arg11 : memref<!tpu.dma_semaphore, #tpu.memory_space<semaphore_mem>>) src(%arg6 : memref<16x1024xf32, #tpu.memory_space<vmem>>) dst(%dma_wait3A_347 : memref<16x1024xf32, #tpu.memory_space<hbm>>)
    %parallel_loop3A_348 = arith.constant 0 : i32
    %parallel_loop3A_349 = arith.constant 16384 : i32
    %parallel_loop3A_350 = arith.constant 16 : i32
    scf.for %parallel_loop3A_440 = %parallel_loop3A_348 to %parallel_loop3A_349 step %parallel_loop3A_350  : i32 {
      %parallel_loop3A_441 = arith.constant 10 : i32
      %parallel_loop3A_442 = arith.shrui %parallel_loop3A_440, %parallel_loop3A_441 : i32
      %parallel_loop3A_443 = arith.constant 1023 : i32
      %parallel_loop3A_444 = arith.andi %parallel_loop3A_440, %parallel_loop3A_443 : i32
      %parallel_loop3A_445 = tpu.assume_multiple %parallel_loop3A_444, 16 : i32
      %parallel_loop3A_446 = arith.constant 0 : i32
      %parallel_loop3A_447 = arith.addi %parallel_loop3A_446, %parallel_loop3A_442 : i32
      %parallel_loop3A_448 = arith.index_cast %parallel_loop3A_447 : i32 to index
      %parallel_loop3A_449 = arith.index_cast %parallel_loop3A_445 : i32 to index
      %parallel_loop3A_450 = tpu.vector_load %arg5[%parallel_loop3A_448, %parallel_loop3A_449] {strides = array<i32>} : memref<64x1024xf32, #tpu.memory_space<vmem>>, vector<1x16xf32>,
      %parallel_loop3A_451 = vector.shape_cast %parallel_loop3A_450 : vector<1x16xf32> to vector<16xf32>
      %parallel_loop3A_452 = arith.index_cast %parallel_loop3A_442 : i32 to index
      %parallel_loop3A_453 = arith.index_cast %parallel_loop3A_445 : i32 to index
      %parallel_loop3A_454 = tpu.vector_load %arg6[%parallel_loop3A_452, %parallel_loop3A_453] {strides = array<i32>} : memref<16x1024xf32, #tpu.memory_space<vmem>>, vector<1x16xf32>,
      %parallel_loop3A_455 = vector.shape_cast %parallel_loop3A_454 : vector<1x16xf32> to vector<16xf32>
      %parallel_loop3A_456 = vector.shape_cast %parallel_loop3A_451 : vector<16xf32> to vector<1x16xf32>
      tpu.vector_store %arg6[%parallel_loop3A_452, %parallel_loop3A_453], %parallel_loop3A_456 {add = true, strides = array<i32>} : memref<16x1024xf32, #tpu.memory_space<vmem>>, vector<1x16xf32>,
    } {sc.loop_unroll_factor = 8 : i64, sc.parallel_access}
    %add3A_351 = arith.constant 6144 : i32
    %add3A_352 = arith.addi %add3A_351, %mul3A_2 : i32
    %add3A_353 = arith.constant 0 : i32
    %add3A_354 = arith.addi %add3A_352, %add3A_353 : i32
    %dma_start3A_355 = arith.constant 0 : i32
    %dma_start3A_356 = tpu.memref_slice %arg4[%add3A_354, %dma_start3A_355] : memref<8192x1024xf32, #tpu.memory_space<hbm>> -> memref<16x1024xf32, #tpu.memory_space<hbm>>
    %dma_start3A_357 = arith.constant 0 : i32
    %dma_start3A_358 = tpu.memref_slice %arg4[%add3A_354, %dma_start3A_357] : memref<8192x1024xf32, #tpu.memory_space<hbm>> -> memref<16x1024xf32, #tpu.memory_space<hbm>>
    tpu.enqueue_dma source(%arg6 : memref<16x1024xf32, #tpu.memory_space<vmem>>) target(%dma_start3A_358 : memref<16x1024xf32, #tpu.memory_space<hbm>>) target_semaphore(%arg11 : memref<!tpu.dma_semaphore, #tpu.memory_space<semaphore_mem>>)
    %add3A_359 = arith.constant 6144 : i32
    %add3A_360 = arith.addi %add3A_359, %mul3A_2 : i32
    %add3A_361 = arith.constant 32 : i32
    %add3A_362 = arith.addi %add3A_360, %add3A_361 : i32
    %dma_start3A_363 = arith.constant 0 : i32
    %dma_start3A_364 = tpu.memref_slice %arg2[%add3A_362, %dma_start3A_363] : memref<8192x1024xf32, #tpu.memory_space<hbm>> -> memref<16x1024xf32, #tpu.memory_space<hbm>>
    %dma_start3A_365 = arith.constant 0 : i32
    %dma_start3A_366 = tpu.memref_slice %arg2[%add3A_362, %dma_start3A_365] : memref<8192x1024xf32, #tpu.memory_space<hbm>> -> memref<16x1024xf32, #tpu.memory_space<hbm>>
    tpu.enqueue_dma source(%dma_start3A_366 : memref<16x1024xf32, #tpu.memory_space<hbm>>) target(%arg6 : memref<16x1024xf32, #tpu.memory_space<vmem>>) target_semaphore(%arg9 : memref<!tpu.dma_semaphore, #tpu.memory_space<semaphore_mem>>)
    %dma_wait3A_367 = arith.constant 0 : i32
    %dma_wait3A_368 = tpu.memref_slice %arg2[%add3A_335, %dma_wait3A_367] : memref<8192x1024xf32, #tpu.memory_space<hbm>> -> memref<16x1024xf32, #tpu.memory_space<hbm>>
    %dma_wait3A_369 = arith.constant 0 : i32
    %dma_wait3A_370 = tpu.memref_slice %arg2[%add3A_335, %dma_wait3A_369] : memref<8192x1024xf32, #tpu.memory_space<hbm>> -> memref<16x1024xf32, #tpu.memory_space<hbm>>
    tpu.wait_dma2 semaphore(%arg10 : memref<!tpu.dma_semaphore, #tpu.memory_space<semaphore_mem>>) src(%dma_wait3A_370 : memref<16x1024xf32, #tpu.memory_space<hbm>>) dst(%arg7 : memref<16x1024xf32, #tpu.memory_space<vmem>>)
    %dma_wait3A_371 = arith.constant 0 : i32
    %dma_wait3A_372 = tpu.memref_slice %arg4[%add3A_327, %dma_wait3A_371] : memref<8192x1024xf32, #tpu.memory_space<hbm>> -> memref<16x1024xf32, #tpu.memory_space<hbm>>
    %dma_wait3A_373 = arith.constant 0 : i32
    %dma_wait3A_374 = tpu.memref_slice %arg4[%add3A_327, %dma_wait3A_373] : memref<8192x1024xf32, #tpu.memory_space<hbm>> -> memref<16x1024xf32, #tpu.memory_space<hbm>>
    tpu.wait_dma2 semaphore(%arg12 : memref<!tpu.dma_semaphore, #tpu.memory_space<semaphore_mem>>) src(%arg7 : memref<16x1024xf32, #tpu.memory_space<vmem>>) dst(%dma_wait3A_374 : memref<16x1024xf32, #tpu.memory_space<hbm>>)
    %parallel_loop3A_375 = arith.constant 0 : i32
    %parallel_loop3A_376 = arith.constant 16384 : i32
    %parallel_loop3A_377 = arith.constant 16 : i32
    scf.for %parallel_loop3A_440 = %parallel_loop3A_375 to %parallel_loop3A_376 step %parallel_loop3A_377  : i32 {
      %parallel_loop3A_441 = arith.constant 10 : i32
      %parallel_loop3A_442 = arith.shrui %parallel_loop3A_440, %parallel_loop3A_441 : i32
      %parallel_loop3A_443 = arith.constant 1023 : i32
      %parallel_loop3A_444 = arith.andi %parallel_loop3A_440, %parallel_loop3A_443 : i32
      %parallel_loop3A_445 = tpu.assume_multiple %parallel_loop3A_444, 16 : i32
      %parallel_loop3A_446 = arith.constant 16 : i32
      %parallel_loop3A_447 = arith.addi %parallel_loop3A_446, %parallel_loop3A_442 : i32
      %parallel_loop3A_448 = arith.index_cast %parallel_loop3A_447 : i32 to index
      %parallel_loop3A_449 = arith.index_cast %parallel_loop3A_445 : i32 to index
      %parallel_loop3A_450 = tpu.vector_load %arg5[%parallel_loop3A_448, %parallel_loop3A_449] {strides = array<i32>} : memref<64x1024xf32, #tpu.memory_space<vmem>>, vector<1x16xf32>,
      %parallel_loop3A_451 = vector.shape_cast %parallel_loop3A_450 : vector<1x16xf32> to vector<16xf32>
      %parallel_loop3A_452 = arith.index_cast %parallel_loop3A_442 : i32 to index
      %parallel_loop3A_453 = arith.index_cast %parallel_loop3A_445 : i32 to index
      %parallel_loop3A_454 = tpu.vector_load %arg7[%parallel_loop3A_452, %parallel_loop3A_453] {strides = array<i32>} : memref<16x1024xf32, #tpu.memory_space<vmem>>, vector<1x16xf32>,
      %parallel_loop3A_455 = vector.shape_cast %parallel_loop3A_454 : vector<1x16xf32> to vector<16xf32>
      %parallel_loop3A_456 = vector.shape_cast %parallel_loop3A_451 : vector<16xf32> to vector<1x16xf32>
      tpu.vector_store %arg7[%parallel_loop3A_452, %parallel_loop3A_453], %parallel_loop3A_456 {add = true, strides = array<i32>} : memref<16x1024xf32, #tpu.memory_space<vmem>>, vector<1x16xf32>,
    } {sc.loop_unroll_factor = 8 : i64, sc.parallel_access}
    %add3A_378 = arith.constant 6144 : i32
    %add3A_379 = arith.addi %add3A_378, %mul3A_2 : i32
    %add3A_380 = arith.constant 16 : i32
    %add3A_381 = arith.addi %add3A_379, %add3A_380 : i32
    %dma_start3A_382 = arith.constant 0 : i32
    %dma_start3A_383 = tpu.memref_slice %arg4[%add3A_381, %dma_start3A_382] : memref<8192x1024xf32, #tpu.memory_space<hbm>> -> memref<16x1024xf32, #tpu.memory_space<hbm>>
    %dma_start3A_384 = arith.constant 0 : i32
    %dma_start3A_385 = tpu.memref_slice %arg4[%add3A_381, %dma_start3A_384] : memref<8192x1024xf32, #tpu.memory_space<hbm>> -> memref<16x1024xf32, #tpu.memory_space<hbm>>
    tpu.enqueue_dma source(%arg7 : memref<16x1024xf32, #tpu.memory_space<vmem>>) target(%dma_start3A_385 : memref<16x1024xf32, #tpu.memory_space<hbm>>) target_semaphore(%arg12 : memref<!tpu.dma_semaphore, #tpu.memory_space<semaphore_mem>>)
    %add3A_386 = arith.constant 6144 : i32
    %add3A_387 = arith.addi %add3A_386, %mul3A_2 : i32
    %add3A_388 = arith.constant 48 : i32
    %add3A_389 = arith.addi %add3A_387, %add3A_388 : i32
    %dma_start3A_390 = arith.constant 0 : i32
    %dma_start3A_391 = tpu.memref_slice %arg2[%add3A_389, %dma_start3A_390] : memref<8192x1024xf32, #tpu.memory_space<hbm>> -> memref<16x1024xf32, #tpu.memory_space<hbm>>
    %dma_start3A_392 = arith.constant 0 : i32
    %dma_start3A_393 = tpu.memref_slice %arg2[%add3A_389, %dma_start3A_392] : memref<8192x1024xf32, #tpu.memory_space<hbm>> -> memref<16x1024xf32, #tpu.memory_space<hbm>>
    tpu.enqueue_dma source(%dma_start3A_393 : memref<16x1024xf32, #tpu.memory_space<hbm>>) target(%arg7 : memref<16x1024xf32, #tpu.memory_space<vmem>>) target_semaphore(%arg10 : memref<!tpu.dma_semaphore, #tpu.memory_space<semaphore_mem>>)
    %dma_wait3A_394 = arith.constant 0 : i32
    %dma_wait3A_395 = tpu.memref_slice %arg2[%add3A_362, %dma_wait3A_394] : memref<8192x1024xf32, #tpu.memory_space<hbm>> -> memref<16x1024xf32, #tpu.memory_space<hbm>>
    %dma_wait3A_396 = arith.constant 0 : i32
    %dma_wait3A_397 = tpu.memref_slice %arg2[%add3A_362, %dma_wait3A_396] : memref<8192x1024xf32, #tpu.memory_space<hbm>> -> memref<16x1024xf32, #tpu.memory_space<hbm>>
    tpu.wait_dma2 semaphore(%arg9 : memref<!tpu.dma_semaphore, #tpu.memory_space<semaphore_mem>>) src(%dma_wait3A_397 : memref<16x1024xf32, #tpu.memory_space<hbm>>) dst(%arg6 : memref<16x1024xf32, #tpu.memory_space<vmem>>)
    %dma_wait3A_398 = arith.constant 0 : i32
    %dma_wait3A_399 = tpu.memref_slice %arg4[%add3A_354, %dma_wait3A_398] : memref<8192x1024xf32, #tpu.memory_space<hbm>> -> memref<16x1024xf32, #tpu.memory_space<hbm>>
    %dma_wait3A_400 = arith.constant 0 : i32
    %dma_wait3A_401 = tpu.memref_slice %arg4[%add3A_354, %dma_wait3A_400] : memref<8192x1024xf32, #tpu.memory_space<hbm>> -> memref<16x1024xf32, #tpu.memory_space<hbm>>
    tpu.wait_dma2 semaphore(%arg11 : memref<!tpu.dma_semaphore, #tpu.memory_space<semaphore_mem>>) src(%arg6 : memref<16x1024xf32, #tpu.memory_space<vmem>>) dst(%dma_wait3A_401 : memref<16x1024xf32, #tpu.memory_space<hbm>>)
    %parallel_loop3A_402 = arith.constant 0 : i32
    %parallel_loop3A_403 = arith.constant 16384 : i32
    %parallel_loop3A_404 = arith.constant 16 : i32
    scf.for %parallel_loop3A_440 = %parallel_loop3A_402 to %parallel_loop3A_403 step %parallel_loop3A_404  : i32 {
      %parallel_loop3A_441 = arith.constant 10 : i32
      %parallel_loop3A_442 = arith.shrui %parallel_loop3A_440, %parallel_loop3A_441 : i32
      %parallel_loop3A_443 = arith.constant 1023 : i32
      %parallel_loop3A_444 = arith.andi %parallel_loop3A_440, %parallel_loop3A_443 : i32
      %parallel_loop3A_445 = tpu.assume_multiple %parallel_loop3A_444, 16 : i32
      %parallel_loop3A_446 = arith.constant 32 : i32
      %parallel_loop3A_447 = arith.addi %parallel_loop3A_446, %parallel_loop3A_442 : i32
      %parallel_loop3A_448 = arith.index_cast %parallel_loop3A_447 : i32 to index
      %parallel_loop3A_449 = arith.index_cast %parallel_loop3A_445 : i32 to index
      %parallel_loop3A_450 = tpu.vector_load %arg5[%parallel_loop3A_448, %parallel_loop3A_449] {strides = array<i32>} : memref<64x1024xf32, #tpu.memory_space<vmem>>, vector<1x16xf32>,
      %parallel_loop3A_451 = vector.shape_cast %parallel_loop3A_450 : vector<1x16xf32> to vector<16xf32>
      %parallel_loop3A_452 = arith.index_cast %parallel_loop3A_442 : i32 to index
      %parallel_loop3A_453 = arith.index_cast %parallel_loop3A_445 : i32 to index
      %parallel_loop3A_454 = tpu.vector_load %arg6[%parallel_loop3A_452, %parallel_loop3A_453] {strides = array<i32>} : memref<16x1024xf32, #tpu.memory_space<vmem>>, vector<1x16xf32>,
      %parallel_loop3A_455 = vector.shape_cast %parallel_loop3A_454 : vector<1x16xf32> to vector<16xf32>
      %parallel_loop3A_456 = vector.shape_cast %parallel_loop3A_451 : vector<16xf32> to vector<1x16xf32>
      tpu.vector_store %arg6[%parallel_loop3A_452, %parallel_loop3A_453], %parallel_loop3A_456 {add = true, strides = array<i32>} : memref<16x1024xf32, #tpu.memory_space<vmem>>, vector<1x16xf32>,
    } {sc.loop_unroll_factor = 8 : i64, sc.parallel_access}
    %add3A_405 = arith.constant 6144 : i32
    %add3A_406 = arith.addi %add3A_405, %mul3A_2 : i32
    %add3A_407 = arith.constant 32 : i32
    %add3A_408 = arith.addi %add3A_406, %add3A_407 : i32
    %dma_start3A_409 = arith.constant 0 : i32
    %dma_start3A_410 = tpu.memref_slice %arg4[%add3A_408, %dma_start3A_409] : memref<8192x1024xf32, #tpu.memory_space<hbm>> -> memref<16x1024xf32, #tpu.memory_space<hbm>>
    %dma_start3A_411 = arith.constant 0 : i32
    %dma_start3A_412 = tpu.memref_slice %arg4[%add3A_408, %dma_start3A_411] : memref<8192x1024xf32, #tpu.memory_space<hbm>> -> memref<16x1024xf32, #tpu.memory_space<hbm>>
    tpu.enqueue_dma source(%arg6 : memref<16x1024xf32, #tpu.memory_space<vmem>>) target(%dma_start3A_412 : memref<16x1024xf32, #tpu.memory_space<hbm>>) target_semaphore(%arg11 : memref<!tpu.dma_semaphore, #tpu.memory_space<semaphore_mem>>)
    %dma_wait3A_413 = arith.constant 0 : i32
    %dma_wait3A_414 = tpu.memref_slice %arg2[%add3A_389, %dma_wait3A_413] : memref<8192x1024xf32, #tpu.memory_space<hbm>> -> memref<16x1024xf32, #tpu.memory_space<hbm>>
    %dma_wait3A_415 = arith.constant 0 : i32
    %dma_wait3A_416 = tpu.memref_slice %arg2[%add3A_389, %dma_wait3A_415] : memref<8192x1024xf32, #tpu.memory_space<hbm>> -> memref<16x1024xf32, #tpu.memory_space<hbm>>
    tpu.wait_dma2 semaphore(%arg10 : memref<!tpu.dma_semaphore, #tpu.memory_space<semaphore_mem>>) src(%dma_wait3A_416 : memref<16x1024xf32, #tpu.memory_space<hbm>>) dst(%arg7 : memref<16x1024xf32, #tpu.memory_space<vmem>>)
    %dma_wait3A_417 = arith.constant 0 : i32
    %dma_wait3A_418 = tpu.memref_slice %arg4[%add3A_381, %dma_wait3A_417] : memref<8192x1024xf32, #tpu.memory_space<hbm>> -> memref<16x1024xf32, #tpu.memory_space<hbm>>
    %dma_wait3A_419 = arith.constant 0 : i32
    %dma_wait3A_420 = tpu.memref_slice %arg4[%add3A_381, %dma_wait3A_419] : memref<8192x1024xf32, #tpu.memory_space<hbm>> -> memref<16x1024xf32, #tpu.memory_space<hbm>>
    tpu.wait_dma2 semaphore(%arg12 : memref<!tpu.dma_semaphore, #tpu.memory_space<semaphore_mem>>) src(%arg7 : memref<16x1024xf32, #tpu.memory_space<vmem>>) dst(%dma_wait3A_420 : memref<16x1024xf32, #tpu.memory_space<hbm>>)
    %parallel_loop3A_421 = arith.constant 0 : i32
    %parallel_loop3A_422 = arith.constant 16384 : i32
    %parallel_loop3A_423 = arith.constant 16 : i32
    scf.for %parallel_loop3A_440 = %parallel_loop3A_421 to %parallel_loop3A_422 step %parallel_loop3A_423  : i32 {
      %parallel_loop3A_441 = arith.constant 10 : i32
      %parallel_loop3A_442 = arith.shrui %parallel_loop3A_440, %parallel_loop3A_441 : i32
      %parallel_loop3A_443 = arith.constant 1023 : i32
      %parallel_loop3A_444 = arith.andi %parallel_loop3A_440, %parallel_loop3A_443 : i32
      %parallel_loop3A_445 = tpu.assume_multiple %parallel_loop3A_444, 16 : i32
      %parallel_loop3A_446 = arith.constant 48 : i32
      %parallel_loop3A_447 = arith.addi %parallel_loop3A_446, %parallel_loop3A_442 : i32
      %parallel_loop3A_448 = arith.index_cast %parallel_loop3A_447 : i32 to index
      %parallel_loop3A_449 = arith.index_cast %parallel_loop3A_445 : i32 to index
      %parallel_loop3A_450 = tpu.vector_load %arg5[%parallel_loop3A_448, %parallel_loop3A_449] {strides = array<i32>} : memref<64x1024xf32, #tpu.memory_space<vmem>>, vector<1x16xf32>,
      %parallel_loop3A_451 = vector.shape_cast %parallel_loop3A_450 : vector<1x16xf32> to vector<16xf32>
      %parallel_loop3A_452 = arith.index_cast %parallel_loop3A_442 : i32 to index
      %parallel_loop3A_453 = arith.index_cast %parallel_loop3A_445 : i32 to index
      %parallel_loop3A_454 = tpu.vector_load %arg7[%parallel_loop3A_452, %parallel_loop3A_453] {strides = array<i32>} : memref<16x1024xf32, #tpu.memory_space<vmem>>, vector<1x16xf32>,
      %parallel_loop3A_455 = vector.shape_cast %parallel_loop3A_454 : vector<1x16xf32> to vector<16xf32>
      %parallel_loop3A_456 = vector.shape_cast %parallel_loop3A_451 : vector<16xf32> to vector<1x16xf32>
      tpu.vector_store %arg7[%parallel_loop3A_452, %parallel_loop3A_453], %parallel_loop3A_456 {add = true, strides = array<i32>} : memref<16x1024xf32, #tpu.memory_space<vmem>>, vector<1x16xf32>,
    } {sc.loop_unroll_factor = 8 : i64, sc.parallel_access}
    %add3A_424 = arith.constant 6144 : i32
    %add3A_425 = arith.addi %add3A_424, %mul3A_2 : i32
    %add3A_426 = arith.constant 48 : i32
    %add3A_427 = arith.addi %add3A_425, %add3A_426 : i32
    %dma_start3A_428 = arith.constant 0 : i32
    %dma_start3A_429 = tpu.memref_slice %arg4[%add3A_427, %dma_start3A_428] : memref<8192x1024xf32, #tpu.memory_space<hbm>> -> memref<16x1024xf32, #tpu.memory_space<hbm>>
    %dma_start3A_430 = arith.constant 0 : i32
    %dma_start3A_431 = tpu.memref_slice %arg4[%add3A_427, %dma_start3A_430] : memref<8192x1024xf32, #tpu.memory_space<hbm>> -> memref<16x1024xf32, #tpu.memory_space<hbm>>
    tpu.enqueue_dma source(%arg7 : memref<16x1024xf32, #tpu.memory_space<vmem>>) target(%dma_start3A_431 : memref<16x1024xf32, #tpu.memory_space<hbm>>) target_semaphore(%arg12 : memref<!tpu.dma_semaphore, #tpu.memory_space<semaphore_mem>>)
    %dma_wait3A_432 = arith.constant 0 : i32
    %dma_wait3A_433 = tpu.memref_slice %arg4[%add3A_408, %dma_wait3A_432] : memref<8192x1024xf32, #tpu.memory_space<hbm>> -> memref<16x1024xf32, #tpu.memory_space<hbm>>
    %dma_wait3A_434 = arith.constant 0 : i32
    %dma_wait3A_435 = tpu.memref_slice %arg4[%add3A_408, %dma_wait3A_434] : memref<8192x1024xf32, #tpu.memory_space<hbm>> -> memref<16x1024xf32, #tpu.memory_space<hbm>>
    tpu.wait_dma2 semaphore(%arg11 : memref<!tpu.dma_semaphore, #tpu.memory_space<semaphore_mem>>) src(%arg6 : memref<16x1024xf32, #tpu.memory_space<vmem>>) dst(%dma_wait3A_435 : memref<16x1024xf32, #tpu.memory_space<hbm>>)
    %dma_wait3A_436 = arith.constant 0 : i32
    %dma_wait3A_437 = tpu.memref_slice %arg4[%add3A_427, %dma_wait3A_436] : memref<8192x1024xf32, #tpu.memory_space<hbm>> -> memref<16x1024xf32, #tpu.memory_space<hbm>>
    %dma_wait3A_438 = arith.constant 0 : i32
    %dma_wait3A_439 = tpu.memref_slice %arg4[%add3A_427, %dma_wait3A_438] : memref<8192x1024xf32, #tpu.memory_space<hbm>> -> memref<16x1024xf32, #tpu.memory_space<hbm>>
    tpu.wait_dma2 semaphore(%arg12 : memref<!tpu.dma_semaphore, #tpu.memory_space<semaphore_mem>>) src(%arg7 : memref<16x1024xf32, #tpu.memory_space<vmem>>) dst(%dma_wait3A_439 : memref<16x1024xf32, #tpu.memory_space<hbm>>)
    return
  }
}

</mosaic_0001>

<sc_bundles>
// kernel: kernel.3.cloned.1.call-start
scs
__scs_entry_jumppad:
0x0: {  	(pc) =	sbr.rel $0x88, $3  }
0x1: {  	(tag) =	ssettag $0x0;
	lr =	simm.s32 $0x1  }
0x2: {  	[smem:$0x3F9F] =	sst lr;
	_ =	strace $0xD0000000  }
0x3: {  	_ = 	snop  }
0x4: {  	_ = 	snop  }
0x5: {  	_ = 	snop  }
0x6: {  	_ = 	snop  }
0x7: {  	_ = 	snop  }
__scs_overlays_trampoline_lowered:
0x8: {  	[smem:$0x3FAE] =	sst s0  }
0x9: {  	[smem:$0x3FAF] =	sst s1  }
0xa: {  	[smem:$0x3FB0] =	sst s2  }
0xb: {  	[smem:$0x3FB1] =	sst s3  }
0xc: {  	[smem:$0x3FB2] =	sst s4  }
0xd: {  	[smem:$0x3FB3] =	sst s5  }
0xe: {  	[smem:$0x3FB4] =	sst s6  }
0xf: {  	[smem:$0x3FB5] =	sst s7  }
0x10: {  	[smem:$0x3FB6] =	sst s8  }
0x11: {  	[smem:$0x3FB7] =	sst s9;
	s0 =	simm.s32 @!p0 $0x0  }
0x12: {  	s1 =	sld [smem:$0x3F9D];
	s0 =	simm.s32 @p0 $0x1  }
0x13: {  	[smem:$0x3FB8] =	sst s0;
	s0 =	simm.s32 @!p1 $0x0  }
0x14: {  	s2 =	sld [smem:$0x3F9C];
	s0 =	simm.s32 @p1 $0x1  }
0x15: {  	[smem:$0x3FB9] =	sst s0;
	s0 =	simm.s32 @!p2 $0x0  }
0x16: {  	s3 =	sld [smem:$0x3FDB];
	s0 =	simm.s32 @p2 $0x1  }
0x17: {  	s4 =	simm.s32 $0x1BF5;
	[smem:$0x3FBB] =	sst s0  }
0x18: {  	s0 =	sld [smem:$0x3F9E];
	_ =	swait.ge [sflag:s4], $0x0  }
0x19: {  	s7 =	sld [smem:$0x3F9F]  }
0x1a: {  	s8 =	sadd.s32 $0xFFFFE003, lr  }
0x1b: {  	s9 =	sadd.s32 $0xFFFFFEF7, lr;
	s5 =	simm.s32 $0xFFFFFFFF;
	p2 =	slt.u32 s8, $0xFFFFF086  }
0x1c: {  	p1 =	slt.u32 s9, $0xF7A;
	s5 =	simm.s32 @!p2 $0x0  }
0x1d: {  	s5 =	simm.s32 @p1 $0x1;
	p0 =	seq.s32 s7, s2  }
0x1e: {  	s7 =	smul.u32 @!p0 $0xF7A, s2;
	p2 =	seq.s32 @!p0 s5, $0x0  }
0x1f: {  	s9 =	smul.u32 $0xF7A, s1;
	s8 =	simm.s32 @!p0 $0x1BF5;
	p2 =	por !p2, p0  }
0x20: {  	[sflag:s8] =	ssyncset.s32 @!p0 $0xFFFFF086;
	s6 =	sadd.s32 @!p0 s3, s7;
	s7 =	simm.s32 @!p0 $0x108  }
0x21: {  	s3 =	sadd.s32 s3, s9;
	s6 =	sadd.s32 @!p0 $0x88, s6;
	s7 =	simm.s32 @p2 $0x1082  }
0x22: {  	[simem:s7], [sflag:s8] =	dma.local @!p0 [hbm:s6], $0xF7A  }
0x23: {  	s9 =	sor.u32 $0xD0000000, s2;
	s6 =	simm.s32 $0x108;
	_ =	swait.ge @!p0 [sflag:s8], $0x0  }
0x24: {  	s3 =	sadd.s32 $0x88, s3;
	s6 =	simm.s32 @!p1 $0x1082;
	[sflag:s4] =	ssyncset.s32 $0xFFFFF086  }
0x25: {  	[simem:s6], [sflag:s4] =	dma.local [hbm:s3], $0xF7A  }
0x26: {  	[smem:$0x3F9F] =	sst s1;
	(tag) =	ssettag s2;
	_ =	strace s9  }
0x27: {  	s1 =	sld [smem:$0x3FAF]  }
0x28: {  	s2 =	sld [smem:$0x3FB0]  }
0x29: {  	s4 =	sld [smem:$0x3FB2]  }
0x2a: {  	p0 =	seq.s32 s5, $0x0;
	s5 =	sld [smem:$0x3FB3]  }
0x2b: {  	s6 =	sld [smem:$0x3FB4]  }
0x2c: {  	s7 =	sld [smem:$0x3FB5]  }
0x2d: {  	s3 =	simm.s32 $0x108;
	s8 =	sld [smem:$0x3FB6]  }
0x2e: {  	s3 =	simm.s32 @!p0 $0x1082;
	s9 =	sld [smem:$0x3FB7]  }
0x2f: {  	lr =	sadd.s32 s0, s3;
	s0 =	sld [smem:$0x3FAE]  }
0x30: {  	s3 =	sld [smem:$0x3FB1]  }
0x31: {  	[smem:$0x3FBA] =	sst s10  }
0x32: {  	s10 =	sld [smem:$0x3FB8];
	_ =	sdelay $0x3  }
0x33: {  	p0 =	seq.s32 s10, $0x1;
	s10 =	sld [smem:$0x3FBA];
	_ =	sdelay $0x3  }
0x34: {  	[smem:$0x3FBA] =	sst s10  }
0x35: {  	s10 =	sld [smem:$0x3FB9];
	_ =	sdelay $0x3  }
0x36: {  	p1 =	seq.s32 s10, $0x1;
	s10 =	sld [smem:$0x3FBA];
	_ =	sdelay $0x3  }
0x37: {  	[smem:$0x3FBA] =	sst s10  }
0x38: {  	s10 =	sld [smem:$0x3FBB]  }
0x39: {  	_ = 	snop;
	(pc) =	sbr.ind lr, $3  }
0x3a: {  	_ = 	snop  }
0x3b: {  	_ = 	snop  }
0x3c: {  	p2 =	seq.s32 s10, $0x1;
	s10 =	sld [smem:$0x3FBA]  }
0x3d: {  	_ =	shalt  }
0x3e: {  	_ =	shalt  }
0x3f: {  	_ =	shalt  }
0x40: {  	_ =	shalt  }
0x41: {  	_ =	shalt  }
0x42: {  	_ =	shalt  }
0x43: {  	_ =	shalt  }
0x44: {  	_ =	shalt  }
0x45: {  	_ =	shalt  }
0x46: {  	_ =	shalt  }
0x47: {  	_ =	shalt  }
0x48: {  	_ =	shalt  }
0x49: {  	_ =	shalt  }
0x4a: {  	_ =	shalt  }
0x4b: {  	_ =	shalt  }
0x4c: {  	_ =	shalt  }
0x4d: {  	_ =	shalt  }
0x4e: {  	_ =	shalt  }
0x4f: {  	_ =	shalt  }
0x50: {  	_ =	shalt  }
0x51: {  	_ =	shalt  }
0x52: {  	_ =	shalt  }
0x53: {  	_ =	shalt  }
0x54: {  	_ =	shalt  }
0x55: {  	_ =	shalt  }
0x56: {  	_ =	shalt  }
0x57: {  	_ =	shalt  }
0x58: {  	_ =	shalt  }
0x59: {  	_ =	shalt  }
0x5a: {  	_ =	shalt  }
0x5b: {  	_ =	shalt  }
0x5c: {  	_ =	shalt  }
0x5d: {  	_ =	shalt  }
0x5e: {  	_ =	shalt  }
0x5f: {  	_ =	shalt  }
0x60: {  	_ =	shalt  }
0x61: {  	_ =	shalt  }
0x62: {  	_ =	shalt  }
0x63: {  	_ =	shalt  }
0x64: {  	_ =	shalt  }
0x65: {  	_ =	shalt  }
0x66: {  	_ =	shalt  }
0x67: {  	_ =	shalt  }
0x68: {  	_ =	shalt  }
0x69: {  	_ =	shalt  }
0x6a: {  	_ =	shalt  }
0x6b: {  	_ =	shalt  }
0x6c: {  	_ =	shalt  }
0x6d: {  	_ =	shalt  }
0x6e: {  	_ =	shalt  }
0x6f: {  	_ =	shalt  }
0x70: {  	_ =	shalt  }
0x71: {  	_ =	shalt  }
0x72: {  	_ =	shalt  }
0x73: {  	_ =	shalt  }
0x74: {  	_ =	shalt  }
0x75: {  	_ =	shalt  }
0x76: {  	_ =	shalt  }
0x77: {  	_ =	shalt  }
0x78: {  	_ =	shalt  }
0x79: {  	_ =	shalt  }
0x7a: {  	_ =	shalt  }
0x7b: {  	_ =	shalt  }
0x7c: {  	_ =	shalt  }
0x7d: {  	_ =	shalt  }
0x7e: {  	_ =	shalt  }
0x7f: {  	_ =	shalt  }
0x80: {  	_ =	shalt  }
0x81: {  	_ =	shalt  }
0x82: {  	_ =	shalt  }
0x83: {  	_ =	shalt  }
0x84: {  	_ =	shalt  }
0x85: {  	_ =	shalt  }
0x86: {  	_ =	shalt  }
0x87: {  	_ =	shalt  }
.Lfunc_end0:
.L_simem_size_0:
called_computation_lowered:
.L_overlay_start_0:
0x88: {  	s2 =	sld [smem:$0x3FD9]  }
0x89: {  	s3 =	sld [smem:$0x3FFE];
	_ =	sdelay $0x1  }
0x8a: {  	s1 =	srdreg.scid  }
0x8b: {  	s0 =	sand.u32 $0x1, s1  }
0x8c: {  	s18 =	sshll.u32 s0, $0xA;
	s2 =	sadd.s32 s3, s2  }
0x8d: {  	s2 =	sadd.s32 s2, s18  }
0x8e: {  	[smem:$0x3FC6] =	sst s2  }
0x8f: {  	_ = 	snop  }
0x90: {  	s2 =	sld [smem:$0x3FC9]  }
0x91: {  	s19 =	sld [smem:$0x3FC8]  }
0x92: {  	s4 =	sld [smem:$0x3FD0];
	(tm) =	ssettm $0x1  }
0x93: {  	s5 =	sld [smem:$0x3FFB];
	_ =	sdelay $0x3  }
0x94: {  	_ =	strace s5  }
0x95: {  	s5 =	sld [smem:$0x3FFC];
	_ =	sdelay $0x3  }
0x96: {  	_ =	strace s5  }
0x97: {  	s5 =	sld [smem:$0x3FFD];
	_ =	sdelay $0x3  }
0x98: {  	_ =	strace s5  }
0x99: {  	_ =	strace $0x8FFFFFFF  }
0x9a: {  	s20 =	sld [smem:$0x3FDB];
	_ =	sdelay $0x1  }
0x9b: {  	s6 =	simm.s32 $_scs_section_size  }
0x9c: {  	s7 =	simm.s32 $_size__tile_overlayer_lowered;
	s8 =	simm.s32 $_tile_overlayer_lowered  }
0x9d: {  	s23 =	simm.s32 $0x1BFF;
	s22 =	sshll.u32 s8, $0x1;
	s5 =	sadd.s32 s6, s20  }
0x9e: {  	s9 =	simm.s32 $0x0;
	s21 =	sshll.u32 s7, $0x1;
	s7 =	sadd.s32 s22, s5  }
0x9f: {  	[timem:s9], [sflag:s23] =	dma.local [hbm:s7], s21  }
0xa0: {  	_ =	swait.ge [sflag:s23], s21  }
0xa1: {  	s6 =	ssub.s32 $0x0, s21;
	[sflag:s23] =	ssyncset.done $0x0  }
0xa2: {  	[sflag:s23] =	ssyncadd.s32 s6;
	_ =	sdelay $0x1  }
0xa3: {  	s24 =	simm.s32 $0x1B8B  }
0xa4: {  	_ =	swait.ge [sflag:s24], $0x1  }
0xa5: {  	[sflag:s24] =	ssyncset.done $0x0  }
0xa6: {  	s25 =	simm.s32 $0x1B8E;
	[sflag:s24] =	ssyncadd.s32 $0xFFFFFFFF  }
0xa7: {  	s26 =	simm.s32 $execute0_lowered;
	[smem:$0x3FD2] =	sst s25  }
0xa8: {  	s6 =	sshll.u32 s26, $0x1;
	_ =	strace $0x80000046;
	[dreg:$0x1] =	wrdreg $0xFFFFFFFF  }
0xa9: {  	s28 =	simm.s32 $_size_execute0_lowered;
	s5 =	sadd.s32 s5, s6;
	[dreg:$0x0] =	wrdreg $0x0  }
0xaa: {  	s6 =	sshll.u32 s28, $0x1;
	[dreg:$0x2] =	wrdreg s5  }
0xab: {  	[dreg:$0x3] =	wrdreg s6  }
0xac: {  	[dreg:$0x4] =	wrdreg $0xC0  }
0xad: {  	_ =	task [dreg:s9], $0x5FFFF  }
0xae: {  	[dreg:$0x1] =	wrdreg $0xFFFFFFFF  }
0xaf: {  	[dreg:$0x0] =	wrdreg $0x60  }
0xb0: {  	[dreg:$0x2] =	wrdreg s2  }
0xb1: {  	[dreg:$0x3] =	wrdreg s19  }
0xb2: {  	[dreg:$0x4] =	wrdreg s4  }
0xb3: {  	[dreg:$0x5] =	wrdreg $0x9  }
0xb4: {  	_ =	task.clear_ibuf [dreg:s9], $0x6FFFF;
	_ =	strace $0x90000046  }
0xb5: {  	s29 =	simm.s32 $0x9;
	_ =	strace $0x80000048  }
0xb6: {  	_ =	swait.ge [sflag:s29], $0x1  }
0xb7: {  	[sflag:s29] =	ssyncadd.s32 $0xFFFFFFFF  }
0xb8: {  	_ =	strace $0x90000048  }
0xb9: {  	_ =	sfence  }
0xba: {  	s30 =	sld [smem:$0x0];
	_ =	sdelay $0x2  }
0xbb: {  	s31 =	sshll.u32 s1, $0xD;
	s1 =	sshrl.u32 s1, $0x2  }
0xbc: {  	s3 =	sand.u32 $0x4000, s31;
	s1 =	sadd.s32 s1, s30  }
0xbd: {  	s0 =	sor.u32 s3, s0;
	s1 =	sshll.u32 s1, $0x11  }
0xbe: {  	s0 =	sor.u32 s1, s0  }
0xbf: {  	s0 =	sadd.s32 $0x8F2B, s0  }
0xc0: {  	[sflag:s0] =	ssyncadd.remote.s32 $0x1  }
0xc1: {  	_ =	sfence.sel $0xFFFF  }
0xc2: {  	[dreg:$0x0] =	wrdreg $0xFFFFFFFF;
	(pc) =	sbr.abs _section_cstart, $3  }
0xc3: {  	[dreg:$0x1] =	wrdreg $0xFFFFFFFF  }
0xc4: {  	_ =	task.clear_ibuf [dreg:s9], $0x2FFFF;
	_ =	strace $0x9FFFFFFF  }
0xc5: {  	(tm) =	ssettm $0x7FFFFFFF  }
tec
execute0_lowered:
.L_overlay_start_1:
0x0: {  	(tag) =	ssettag $0x1  }
0x1: {  	s2 =	rddreg [dreg:$0x0]  }
0x2: {  	s0 =	srdreg.scid;
	s3 =	rddreg [dreg:$0x1]  }
0x3: {  	s1 =	stileid.u32;
	s5 =	rddreg [dreg:$0x2];
	s0 =	sand.u32 $0x1, s0  }
0x4: {  	s1 =	sshll.u32 s1, $0xE;
	s4 =	sshll.u32 s0, $0xD;
	s0 =	ssub.s32 $0x2, s0  }
0x5: {  	s4 =	sor.u32 s4, s1;
	s1 =	simm.s32 $0x0;
	s6 =	sshrl.u32 s0, $0x1  }
0x6: {  	s7 =	sor.u32 $0x800, s4;
	[smem:$0x7FF] =	sst s1;
	s6 =	ssub.s32 s0, s6  }
0x7: {  	s20 =	sadd.s32 s3, s4;
	s21 =	sor.u32 $0x1000, s4;
	s22 =	sor.u32 $0x1800, s4  }
0x8: {  	s24 =	sor.u32 $0x40000, s4;
	s19 =	sadd.s32 s2, s7;
	[dreg:$0x5] =	wrdreg s20  }
0x9: {  	s25 =	sor.u32 $0x40800, s4;
	s8 =	sadd.s32 s2, s21;
	[dreg:$0x4] =	wrdreg s19  }
0xa: {  	s9 =	sor.u32 $0x41000, s4;
	s7 =	sadd.s32 s5, s7;
	[dreg:$0x6] =	wrdreg s8  }
0xb: {  	s10 =	sor.u32 $0x41800, s4;
	s23 =	sadd.s32 s2, s22;
	[dreg:$0x7] =	wrdreg s7  }
0xc: {  	s13 =	sor.u32 $0x80000, s4;
	s0 =	sadd.s32 s5, s21;
	[dreg:$0x8] =	wrdreg s23  }
0xd: {  	s14 =	sor.u32 $0x80800, s4;
	s26 =	sadd.s32 s2, s24;
	[dreg:$0x9] =	wrdreg s0  }
0xe: {  	s17 =	sor.u32 $0x81000, s4;
	s3 =	sadd.s32 s5, s22;
	[dreg:$0xa] =	wrdreg s26  }
0xf: {  	s31 =	sadd.s32 s2, s4;
	s11 =	sadd.s32 s2, s9;
	[dreg:$0xb] =	wrdreg s3  }
0x10: {  	s30 =	sadd.s32 s5, s4;
	s12 =	sadd.s32 s2, s10;
	[dreg:$0xe] =	wrdreg s11  }
0x11: {  	s15 =	sadd.s32 s2, s13;
	s16 =	sadd.s32 s2, s14;
	[dreg:$0x10] =	wrdreg s12  }
0x12: {  	s18 =	sadd.s32 s5, s14;
	s20 =	sor.u32 $0x81800, s4;
	[dreg:$0x12] =	wrdreg s15  }
0x13: {  	s22 =	sor.u32 $0xC0000, s4;
	s8 =	sadd.s32 s2, s25;
	[dreg:$0x14] =	wrdreg s16  }
0x14: {  	s0 =	sadd.s32 s5, s24;
	s7 =	sadd.s32 s5, s25;
	[dreg:$0x16] =	wrdreg s18  }
0x15: {  	s3 =	sadd.s32 s5, s10;
	s19 =	sadd.s32 s2, s17;
	[dreg:$0xc] =	wrdreg s8  }
0x16: {  	s21 =	sadd.s32 s2, s20;
	s23 =	sadd.s32 s2, s22;
	[dreg:$0xd] =	wrdreg s0  }
0x17: {  	s26 =	sadd.s32 s5, s22;
	s24 =	sor.u32 $0xC0800, s4;
	[dreg:$0xf] =	wrdreg s7  }
0x18: {  	s25 =	sor.u32 $0xC1000, s4;
	s4 =	sor.u32 $0xC1800, s4;
	[dreg:$0x13] =	wrdreg s3  }
0x19: {  	s10 =	simm.s32 $0x3;
	s11 =	simm.s32 $0x4;
	[dreg:$0x17] =	wrdreg s19  }
0x1a: {  	s12 =	simm.s32 $0x5;
	s0 =	sadd.s32 s5, s9;
	[dreg:$0x19] =	wrdreg s21  }
0x1b: {  	[dreg:$0x1b] =	wrdreg s23;
	s28 =	sadd.s32 s2, s24;
	s29 =	sadd.s32 s5, s24  }
0x1c: {  	s3 =	sadd.s32 s5, s25;
	[dreg:$0x11] =	wrdreg s0;
	s0 =	sadd.s32 s5, s13  }
0x1d: {  	s7 =	simm.s32 $0x14000;
	[dreg:$0x15] =	wrdreg s0;
	s0 =	sadd.s32 s5, s17  }
0x1e: {  	s8 =	simm.s32 $0x2;
	[dreg:$0x18] =	wrdreg s0;
	s0 =	sadd.s32 s5, s20  }
0x1f: {  	s9 =	simm.s32 $0x1;
	s13 =	simm.s32 $0x0;
	[dreg:$0x1a] =	wrdreg s0  }
0x20: {  	s0 =	sadd.s32 s2, s25;
	s2 =	sadd.s32 s2, s4;
	s4 =	sadd.s32 s5, s4  }
0x21: {  	s5 =	smax.u32 s6, $0x1;
	s6 =	simm.s32 $0x10000;
	_ =	strace $0x80000047  }
.LBB2_1:
0x22: {  	[tilespmem:s6], [sflag:$0x2] =	stream.linear.gather [hbm4b:s31+s1], $0x4000, $0x38;
	[tilespmem:$0x18000] =	vst v63  }
0x23: {  	s14 =	rddreg [dreg:$0x4]  }
0x24: {  	[tilespmem:s7], [sflag:$0x3] =	stream.linear.gather [hbm4b:s14+s1], $0x4000, $0x38;
	[tilespmem:$0x18000] =	vst v63  }
0x25: {  	s23 =	rddreg [dreg:$0x5]  }
0x26: {  	[tilespmem:s1], [sflag:$0x1] =	stream.linear.gather [hbm4b:s23+s1], $0x10000, $0x38;
	[tilespmem:$0x18000] =	vst v63  }
0x27: {  	_ =	swait.ge [sflag:s8], $0x4000  }
0x28: {  	[sflag:s8] =	ssyncset.done $0x0  }
0x29: {  	s14 =	simm.s32 $0x0;
	[sflag:s8] =	ssyncadd.s32 $0xFFFFC000  }
0x2a: {  	s16 =	sand.u32 $0x1C00, s1;
	s15 =	sand.u32 $0x2000, s14;
	_ =	swait.ge [sflag:s9], $0x10000  }
0x2b: {  	s24 =	sand.u32 $0x380, s1;
	s15 =	sor.u32 s15, s16;
	[sflag:s9] =	ssyncset.done $0x0  }
0x2c: {  	s15 =	sor.u32 s24, s15;
	[sflag:s9] =	ssyncadd.s32 $0xFFFF0000  }
0x2d: {  	v0 =	vld [tilespmem:s15+$0x70]  }
0x2e: {  	v4 =	vld [tilespmem:s15+$0x0]  }
0x2f: {  	v5 =	vld [tilespmem:s15+$0x10]  }
0x30: {  	v6 =	vld [tilespmem:s15+$0x20]  }
0x31: {  	v2 =	vld [tilespmem:s15+$0x30]  }
0x32: {  	v3 =	vld [tilespmem:s15+$0x40]  }
0x33: {  	s16 =	sor.u32 $0x10070, s15;
	v1 =	vld [tilespmem:s15+$0x60]  }
0x34: {  	[tilespmem:s16+$0x0] =	vst.add.f32.msk $0xffff, v0  }
0x35: {  	s25 =	sor.u32 $0x10000, s15;
	v0 =	vld [tilespmem:s15+$0x50]  }
0x36: {  	s18 =	sor.u32 $0x10010, s15;
	s21 =	sor.u32 $0x10020, s15;
	[tilespmem:s25+$0x0] =	vst.add.f32.msk $0xffff, v4  }
0x37: {  	s20 =	sor.u32 $0x10030, s15;
	s19 =	sor.u32 $0x10040, s15;
	s17 =	sor.u32 $0x10050, s15;
	[tilespmem:s18+$0x0] =	vst.add.f32.msk $0xffff, v5  }
0x38: {  	s18 =	sor.u32 $0x10060, s15;
	[tilespmem:s21+$0x0] =	vst.add.f32.msk $0xffff, v6;
	s15 =	simm.s32 $0x0;
	s16 =	simm.s32 $0x0  }
.LBB2_2:
0x39: {  	s14 =	sadd.s32 $0x80, s14;
	[tilespmem:s20+$0x0] =	vst.add.f32.msk $0xffff, v2;
	s15 =	sadd.s32 $0x400, s15  }
0x3a: {  	s16 =	sadd.s32 $0x10, s16;
	s20 =	sand.u32 $0x2000, s14;
	s21 =	sand.u32 $0x1C00, s15;
	[tilespmem:s19+$0x0] =	vst.add.f32.msk $0xffff, v3  }
0x3b: {  	p0 =	slt.u32 s14, $0x3F80;
	s19 =	sor.u32 s20, s21;
	s20 =	sand.u32 $0x380, s16;
	[tilespmem:s17+$0x0] =	vst.add.f32.msk $0xffff, v0  }
0x3c: {  	s21 =	sor.u32 s20, s19;
	[tilespmem:s18+$0x0] =	vst.add.f32.msk $0xffff, v1  }
0x3d: {  	s22 =	sor.u32 $0x10000, s21;
	s23 =	sor.u32 $0x10010, s21;
	s24 =	sor.u32 $0x10020, s21;
	v0 =	vld [tilespmem:s21+$0x70]  }
0x3e: {  	s20 =	sor.u32 $0x10030, s21;
	s19 =	sor.u32 $0x10040, s21;
	s17 =	sor.u32 $0x10050, s21;
	v4 =	vld [tilespmem:s21+$0x0]  }
0x3f: {  	s18 =	sor.u32 $0x10060, s21;
	v5 =	vld [tilespmem:s21+$0x10]  }
0x40: {  	v6 =	vld [tilespmem:s21+$0x20]  }
0x41: {  	s25 =	sor.u32 $0x10070, s21;
	v2 =	vld [tilespmem:s21+$0x30]  }
0x42: {  	[tilespmem:s25+$0x0] =	vst.add.f32.msk $0xffff, v0  }
0x43: {  	v3 =	vld [tilespmem:s21+$0x40]  }
.Ltmp0:
0x44: {  	v0 =	vld [tilespmem:s21+$0x50];
	(pc) =	sbr.rel @p0 .LBB2_2-.Ltmp0, $4  }
0x45: {  	v1 =	vld [tilespmem:s21+$0x60]  }
0x46: {  	[tilespmem:s22+$0x0] =	vst.add.f32.msk $0xffff, v4  }
0x47: {  	[tilespmem:s23+$0x0] =	vst.add.f32.msk $0xffff, v5  }
0x48: {  	[tilespmem:s24+$0x0] =	vst.add.f32.msk $0xffff, v6  }
0x49: {  	[tilespmem:s20+$0x0] =	vst.add.f32.msk $0xffff, v2  }
0x4a: {  	[tilespmem:s19+$0x0] =	vst.add.f32.msk $0xffff, v3  }
0x4b: {  	[tilespmem:s17+$0x0] =	vst.add.f32.msk $0xffff, v0  }
0x4c: {  	s14 =	simm.s32 $0x0;
	[tilespmem:s18+$0x0] =	vst.add.f32.msk $0xffff, v1  }
0x4d: {  	[hbm4b:s30+s14] =	stream.linear.scatter [tilespmem:s6], [sflag:$0x4], $0x4000, $0x38;
	[tilespmem:$0x18000] =	vst v63  }
0x4e: {  	s15 =	rddreg [dreg:$0x6]  }
0x4f: {  	[tilespmem:s6], [sflag:$0x2] =	stream.linear.gather [hbm4b:s15+s14], $0x4000, $0x38;
	[tilespmem:$0x18000] =	vst v63  }
0x50: {  	s15 =	simm.s32 $0x0  }
0x51: {  	s22 =	sand.u32 $0x380, s14;
	_ =	swait.ge [sflag:s10], $0x4000;
	s16 =	sand.u32 $0x2000, s15  }
0x52: {  	s23 =	sand.u32 $0x1C00, s14;
	[sflag:s10] =	ssyncset.done $0x0;
	s16 =	sor.u32 s22, s16  }
0x53: {  	[sflag:s10] =	ssyncadd.s32 $0xFFFFC000;
	s16 =	sor.u32 s23, s16  }
0x54: {  	v0 =	vld [tilespmem:s16+$0x4070]  }
0x55: {  	v4 =	vld [tilespmem:s16+$0x4000]  }
0x56: {  	v5 =	vld [tilespmem:s16+$0x4010]  }
0x57: {  	v6 =	vld [tilespmem:s16+$0x4020]  }
0x58: {  	v2 =	vld [tilespmem:s16+$0x4030]  }
0x59: {  	v3 =	vld [tilespmem:s16+$0x4040]  }
0x5a: {  	s24 =	sor.u32 $0x14070, s16;
	v1 =	vld [tilespmem:s16+$0x4060]  }
0x5b: {  	[tilespmem:s24+$0x0] =	vst.add.f32.msk $0xffff, v0  }
0x5c: {  	s25 =	sor.u32 $0x14000, s16;
	v0 =	vld [tilespmem:s16+$0x4050]  }
0x5d: {  	s18 =	sor.u32 $0x14010, s16;
	[tilespmem:s25+$0x0] =	vst.add.f32.msk $0xffff, v4  }
0x5e: {  	s21 =	sor.u32 $0x14020, s16;
	s20 =	sor.u32 $0x14030, s16;
	s19 =	sor.u32 $0x14040, s16;
	[tilespmem:s18+$0x0] =	vst.add.f32.msk $0xffff, v5  }
0x5f: {  	s17 =	sor.u32 $0x14050, s16;
	s18 =	sor.u32 $0x14060, s16;
	[tilespmem:s21+$0x0] =	vst.add.f32.msk $0xffff, v6;
	s16 =	simm.s32 $0x0  }
.LBB2_4:
0x60: {  	s15 =	sadd.s32 $0x80, s15;
	[tilespmem:s20+$0x0] =	vst.add.f32.msk $0xffff, v2;
	s14 =	sadd.s32 $0x10, s14  }
0x61: {  	s16 =	sadd.s32 $0x400, s16;
	s20 =	sand.u32 $0x2000, s15;
	s21 =	sand.u32 $0x380, s14;
	[tilespmem:s19+$0x0] =	vst.add.f32.msk $0xffff, v3  }
0x62: {  	s19 =	sand.u32 $0x1C00, s16;
	p0 =	slt.u32 s15, $0x3F80;
	s20 =	sor.u32 s21, s20;
	[tilespmem:s17+$0x0] =	vst.add.f32.msk $0xffff, v0  }
0x63: {  	s21 =	sor.u32 s19, s20;
	[tilespmem:s18+$0x0] =	vst.add.f32.msk $0xffff, v1  }
0x64: {  	s22 =	sor.u32 $0x14000, s21;
	s23 =	sor.u32 $0x14010, s21;
	s24 =	sor.u32 $0x14020, s21;
	v0 =	vld [tilespmem:s21+$0x4070]  }
0x65: {  	s20 =	sor.u32 $0x14030, s21;
	s19 =	sor.u32 $0x14040, s21;
	s17 =	sor.u32 $0x14050, s21;
	v4 =	vld [tilespmem:s21+$0x4000]  }
0x66: {  	s18 =	sor.u32 $0x14060, s21;
	v5 =	vld [tilespmem:s21+$0x4010]  }
0x67: {  	v6 =	vld [tilespmem:s21+$0x4020]  }
0x68: {  	s25 =	sor.u32 $0x14070, s21;
	v2 =	vld [tilespmem:s21+$0x4030]  }
0x69: {  	[tilespmem:s25+$0x0] =	vst.add.f32.msk $0xffff, v0  }
0x6a: {  	v3 =	vld [tilespmem:s21+$0x4040]  }
.Ltmp1:
0x6b: {  	v0 =	vld [tilespmem:s21+$0x4050];
	(pc) =	sbr.rel @p0 .LBB2_4-.Ltmp1, $4  }
0x6c: {  	v1 =	vld [tilespmem:s21+$0x4060]  }
0x6d: {  	[tilespmem:s22+$0x0] =	vst.add.f32.msk $0xffff, v4  }
0x6e: {  	[tilespmem:s23+$0x0] =	vst.add.f32.msk $0xffff, v5  }
0x6f: {  	[tilespmem:s24+$0x0] =	vst.add.f32.msk $0xffff, v6  }
0x70: {  	[tilespmem:s20+$0x0] =	vst.add.f32.msk $0xffff, v2  }
0x71: {  	[tilespmem:s19+$0x0] =	vst.add.f32.msk $0xffff, v3  }
0x72: {  	[tilespmem:s17+$0x0] =	vst.add.f32.msk $0xffff, v0  }
0x73: {  	[tilespmem:s18+$0x0] =	vst.add.f32.msk $0xffff, v1  }
0x74: {  	s14 =	simm.s32 $0x0;
	s15 =	rddreg [dreg:$0x7]  }
0x75: {  	[hbm4b:s15+s14] =	stream.linear.scatter [tilespmem:s7], [sflag:$0x5], $0x4000, $0x38;
	[tilespmem:$0x18000] =	vst v63  }
0x76: {  	s21 =	rddreg [dreg:$0x8]  }
0x77: {  	[tilespmem:s7], [sflag:$0x3] =	stream.linear.gather [hbm4b:s21+s14], $0x4000, $0x38;
	[tilespmem:$0x18000] =	vst v63  }
0x78: {  	_ =	swait.ge [sflag:s8], $0x4000  }
0x79: {  	[sflag:s8] =	ssyncset.done $0x0  }
0x7a: {  	s15 =	simm.s32 $0x0;
	[sflag:s8] =	ssyncadd.s32 $0xFFFFC000  }
0x7b: {  	s22 =	sand.u32 $0x380, s14;
	s16 =	sand.u32 $0x2000, s15;
	_ =	swait.ge [sflag:s11], $0x4000  }
0x7c: {  	s23 =	sand.u32 $0x1C00, s14;
	s16 =	sor.u32 s22, s16;
	[sflag:s11] =	ssyncset.done $0x0  }
0x7d: {  	s16 =	sor.u32 s23, s16;
	[sflag:s11] =	ssyncadd.s32 $0xFFFFC000  }
0x7e: {  	v0 =	vld [tilespmem:s16+$0x8070]  }
0x7f: {  	v4 =	vld [tilespmem:s16+$0x8000]  }
0x80: {  	v5 =	vld [tilespmem:s16+$0x8010]  }
0x81: {  	v6 =	vld [tilespmem:s16+$0x8020]  }
0x82: {  	v2 =	vld [tilespmem:s16+$0x8030]  }
0x83: {  	v3 =	vld [tilespmem:s16+$0x8040]  }
0x84: {  	s24 =	sor.u32 $0x10070, s16;
	v1 =	vld [tilespmem:s16+$0x8060]  }
0x85: {  	[tilespmem:s24+$0x0] =	vst.add.f32.msk $0xffff, v0  }
0x86: {  	s25 =	sor.u32 $0x10000, s16;
	v0 =	vld [tilespmem:s16+$0x8050]  }
0x87: {  	s18 =	sor.u32 $0x10010, s16;
	[tilespmem:s25+$0x0] =	vst.add.f32.msk $0xffff, v4  }
0x88: {  	s21 =	sor.u32 $0x10020, s16;
	s20 =	sor.u32 $0x10030, s16;
	s19 =	sor.u32 $0x10040, s16;
	[tilespmem:s18+$0x0] =	vst.add.f32.msk $0xffff, v5  }
0x89: {  	s17 =	sor.u32 $0x10050, s16;
	s18 =	sor.u32 $0x10060, s16;
	[tilespmem:s21+$0x0] =	vst.add.f32.msk $0xffff, v6;
	s16 =	simm.s32 $0x0  }
.LBB2_6:
0x8a: {  	s15 =	sadd.s32 $0x80, s15;
	[tilespmem:s20+$0x0] =	vst.add.f32.msk $0xffff, v2;
	s14 =	sadd.s32 $0x10, s14  }
0x8b: {  	s16 =	sadd.s32 $0x400, s16;
	s20 =	sand.u32 $0x2000, s15;
	s21 =	sand.u32 $0x380, s14;
	[tilespmem:s19+$0x0] =	vst.add.f32.msk $0xffff, v3  }
0x8c: {  	s19 =	sand.u32 $0x1C00, s16;
	p0 =	slt.u32 s15, $0x3F80;
	s20 =	sor.u32 s21, s20;
	[tilespmem:s17+$0x0] =	vst.add.f32.msk $0xffff, v0  }
0x8d: {  	s21 =	sor.u32 s19, s20;
	[tilespmem:s18+$0x0] =	vst.add.f32.msk $0xffff, v1  }
0x8e: {  	s22 =	sor.u32 $0x10000, s21;
	s23 =	sor.u32 $0x10010, s21;
	s24 =	sor.u32 $0x10020, s21;
	v0 =	vld [tilespmem:s21+$0x8070]  }
0x8f: {  	s20 =	sor.u32 $0x10030, s21;
	s19 =	sor.u32 $0x10040, s21;
	s17 =	sor.u32 $0x10050, s21;
	v4 =	vld [tilespmem:s21+$0x8000]  }
0x90: {  	s18 =	sor.u32 $0x10060, s21;
	v5 =	vld [tilespmem:s21+$0x8010]  }
0x91: {  	v6 =	vld [tilespmem:s21+$0x8020]  }
0x92: {  	s25 =	sor.u32 $0x10070, s21;
	v2 =	vld [tilespmem:s21+$0x8030]  }
0x93: {  	[tilespmem:s25+$0x0] =	vst.add.f32.msk $0xffff, v0  }
0x94: {  	v3 =	vld [tilespmem:s21+$0x8040]  }
.Ltmp2:
0x95: {  	v0 =	vld [tilespmem:s21+$0x8050];
	(pc) =	sbr.rel @p0 .LBB2_6-.Ltmp2, $4  }
0x96: {  	v1 =	vld [tilespmem:s21+$0x8060]  }
0x97: {  	[tilespmem:s22+$0x0] =	vst.add.f32.msk $0xffff, v4  }
0x98: {  	[tilespmem:s23+$0x0] =	vst.add.f32.msk $0xffff, v5  }
0x99: {  	[tilespmem:s24+$0x0] =	vst.add.f32.msk $0xffff, v6  }
0x9a: {  	[tilespmem:s20+$0x0] =	vst.add.f32.msk $0xffff, v2  }
0x9b: {  	[tilespmem:s19+$0x0] =	vst.add.f32.msk $0xffff, v3  }
0x9c: {  	[tilespmem:s17+$0x0] =	vst.add.f32.msk $0xffff, v0  }
0x9d: {  	[tilespmem:s18+$0x0] =	vst.add.f32.msk $0xffff, v1  }
0x9e: {  	s14 =	simm.s32 $0x0;
	s15 =	rddreg [dreg:$0x9]  }
0x9f: {  	[hbm4b:s15+s14] =	stream.linear.scatter [tilespmem:s6], [sflag:$0x4], $0x4000, $0x38;
	[tilespmem:$0x18000] =	vst v63  }
0xa0: {  	s21 =	rddreg [dreg:$0xa]  }
0xa1: {  	[tilespmem:s6], [sflag:$0x2] =	stream.linear.gather [hbm4b:s21+s14], $0x4000, $0x38;
	[tilespmem:$0x18000] =	vst v63  }
0xa2: {  	_ =	swait.ge [sflag:s10], $0x4000  }
0xa3: {  	[sflag:s10] =	ssyncset.done $0x0  }
0xa4: {  	s15 =	simm.s32 $0x0;
	[sflag:s10] =	ssyncadd.s32 $0xFFFFC000  }
0xa5: {  	s22 =	sand.u32 $0x380, s14;
	s16 =	sand.u32 $0x2000, s15;
	_ =	swait.ge [sflag:s12], $0x4000  }
0xa6: {  	s23 =	sand.u32 $0x1C00, s14;
	s16 =	sor.u32 s22, s16;
	[sflag:s12] =	ssyncset.done $0x0  }
0xa7: {  	s16 =	sor.u32 s23, s16;
	[sflag:s12] =	ssyncadd.s32 $0xFFFFC000  }
0xa8: {  	v0 =	vld [tilespmem:s16+$0xC070]  }
0xa9: {  	v4 =	vld [tilespmem:s16+$0xC000]  }
0xaa: {  	v5 =	vld [tilespmem:s16+$0xC010]  }
0xab: {  	v6 =	vld [tilespmem:s16+$0xC020]  }
0xac: {  	v2 =	vld [tilespmem:s16+$0xC030]  }
0xad: {  	v3 =	vld [tilespmem:s16+$0xC040]  }
0xae: {  	s24 =	sor.u32 $0x14070, s16;
	v1 =	vld [tilespmem:s16+$0xC060]  }
0xaf: {  	[tilespmem:s24+$0x0] =	vst.add.f32.msk $0xffff, v0  }
0xb0: {  	s25 =	sor.u32 $0x14000, s16;
	v0 =	vld [tilespmem:s16+$0xC050]  }
0xb1: {  	s18 =	sor.u32 $0x14010, s16;
	[tilespmem:s25+$0x0] =	vst.add.f32.msk $0xffff, v4  }
0xb2: {  	s21 =	sor.u32 $0x14020, s16;
	s20 =	sor.u32 $0x14030, s16;
	s19 =	sor.u32 $0x14040, s16;
	[tilespmem:s18+$0x0] =	vst.add.f32.msk $0xffff, v5  }
0xb3: {  	s17 =	sor.u32 $0x14050, s16;
	s18 =	sor.u32 $0x14060, s16;
	[tilespmem:s21+$0x0] =	vst.add.f32.msk $0xffff, v6;
	s16 =	simm.s32 $0x0  }
.LBB2_8:
0xb4: {  	s15 =	sadd.s32 $0x80, s15;
	[tilespmem:s20+$0x0] =	vst.add.f32.msk $0xffff, v2;
	s14 =	sadd.s32 $0x10, s14  }
0xb5: {  	s16 =	sadd.s32 $0x400, s16;
	s20 =	sand.u32 $0x2000, s15;
	s21 =	sand.u32 $0x380, s14;
	[tilespmem:s19+$0x0] =	vst.add.f32.msk $0xffff, v3  }
0xb6: {  	s19 =	sand.u32 $0x1C00, s16;
	p0 =	slt.u32 s15, $0x3F80;
	s20 =	sor.u32 s21, s20;
	[tilespmem:s17+$0x0] =	vst.add.f32.msk $0xffff, v0  }
0xb7: {  	s21 =	sor.u32 s19, s20;
	[tilespmem:s18+$0x0] =	vst.add.f32.msk $0xffff, v1  }
0xb8: {  	s22 =	sor.u32 $0x14000, s21;
	s23 =	sor.u32 $0x14010, s21;
	s24 =	sor.u32 $0x14020, s21;
	v0 =	vld [tilespmem:s21+$0xC070]  }
0xb9: {  	s20 =	sor.u32 $0x14030, s21;
	s19 =	sor.u32 $0x14040, s21;
	s17 =	sor.u32 $0x14050, s21;
	v4 =	vld [tilespmem:s21+$0xC000]  }
0xba: {  	s18 =	sor.u32 $0x14060, s21;
	v5 =	vld [tilespmem:s21+$0xC010]  }
0xbb: {  	v6 =	vld [tilespmem:s21+$0xC020]  }
0xbc: {  	s25 =	sor.u32 $0x14070, s21;
	v2 =	vld [tilespmem:s21+$0xC030]  }
0xbd: {  	[tilespmem:s25+$0x0] =	vst.add.f32.msk $0xffff, v0  }
0xbe: {  	v3 =	vld [tilespmem:s21+$0xC040]  }
.Ltmp3:
0xbf: {  	v0 =	vld [tilespmem:s21+$0xC050];
	(pc) =	sbr.rel @p0 .LBB2_8-.Ltmp3, $4  }
0xc0: {  	v1 =	vld [tilespmem:s21+$0xC060]  }
0xc1: {  	[tilespmem:s22+$0x0] =	vst.add.f32.msk $0xffff, v4  }
0xc2: {  	[tilespmem:s23+$0x0] =	vst.add.f32.msk $0xffff, v5  }
0xc3: {  	[tilespmem:s24+$0x0] =	vst.add.f32.msk $0xffff, v6  }
0xc4: {  	[tilespmem:s20+$0x0] =	vst.add.f32.msk $0xffff, v2  }
0xc5: {  	[tilespmem:s19+$0x0] =	vst.add.f32.msk $0xffff, v3  }
0xc6: {  	[tilespmem:s17+$0x0] =	vst.add.f32.msk $0xffff, v0  }
0xc7: {  	[tilespmem:s18+$0x0] =	vst.add.f32.msk $0xffff, v1  }
0xc8: {  	s14 =	simm.s32 $0x0;
	s15 =	rddreg [dreg:$0xb]  }
0xc9: {  	[hbm4b:s15+s14] =	stream.linear.scatter [tilespmem:s7], [sflag:$0x5], $0x4000, $0x38;
	[tilespmem:$0x18000] =	vst v63  }
0xca: {  	s21 =	rddreg [dreg:$0xc]  }
0xcb: {  	[tilespmem:s7], [sflag:$0x3] =	stream.linear.gather [hbm4b:s21+s14], $0x4000, $0x38;
	[tilespmem:$0x18000] =	vst v63  }
0xcc: {  	_ =	swait.ge [sflag:s8], $0x4000  }
0xcd: {  	[sflag:s8] =	ssyncset.done $0x0  }
0xce: {  	s15 =	simm.s32 $0x0;
	[sflag:s8] =	ssyncadd.s32 $0xFFFFC000  }
0xcf: {  	s22 =	sand.u32 $0x1C00, s14;
	s16 =	sand.u32 $0x2000, s15;
	_ =	swait.ge [sflag:s11], $0x4000  }
0xd0: {  	s23 =	sand.u32 $0x380, s14;
	s16 =	sor.u32 s16, s22;
	[sflag:s11] =	ssyncset.done $0x0  }
0xd1: {  	s16 =	sor.u32 s23, s16;
	[sflag:s11] =	ssyncadd.s32 $0xFFFFC000  }
0xd2: {  	v0 =	vld [tilespmem:s16+$0x70]  }
0xd3: {  	v4 =	vld [tilespmem:s16+$0x0]  }
0xd4: {  	v5 =	vld [tilespmem:s16+$0x10]  }
0xd5: {  	v6 =	vld [tilespmem:s16+$0x20]  }
0xd6: {  	v2 =	vld [tilespmem:s16+$0x30]  }
0xd7: {  	v3 =	vld [tilespmem:s16+$0x40]  }
0xd8: {  	s17 =	sor.u32 $0x10070, s16;
	v1 =	vld [tilespmem:s16+$0x60]  }
0xd9: {  	[tilespmem:s17+$0x0] =	vst.add.f32.msk $0xffff, v0  }
0xda: {  	s24 =	sor.u32 $0x10000, s16;
	v0 =	vld [tilespmem:s16+$0x50]  }
0xdb: {  	s25 =	sor.u32 $0x10010, s16;
	[tilespmem:s24+$0x0] =	vst.add.f32.msk $0xffff, v4  }
0xdc: {  	s21 =	sor.u32 $0x10020, s16;
	s20 =	sor.u32 $0x10030, s16;
	s19 =	sor.u32 $0x10040, s16;
	[tilespmem:s25+$0x0] =	vst.add.f32.msk $0xffff, v5  }
0xdd: {  	s18 =	sor.u32 $0x10060, s16;
	s17 =	sor.u32 $0x10050, s16;
	[tilespmem:s21+$0x0] =	vst.add.f32.msk $0xffff, v6;
	s16 =	simm.s32 $0x0  }
.LBB2_10:
0xde: {  	s15 =	sadd.s32 $0x80, s15;
	[tilespmem:s20+$0x0] =	vst.add.f32.msk $0xffff, v2;
	s14 =	sadd.s32 $0x400, s14  }
0xdf: {  	s16 =	sadd.s32 $0x10, s16;
	s20 =	sand.u32 $0x2000, s15;
	s21 =	sand.u32 $0x1C00, s14;
	[tilespmem:s19+$0x0] =	vst.add.f32.msk $0xffff, v3  }
0xe0: {  	p0 =	slt.u32 s15, $0x3F80;
	s19 =	sor.u32 s20, s21;
	s20 =	sand.u32 $0x380, s16;
	[tilespmem:s17+$0x0] =	vst.add.f32.msk $0xffff, v0  }
0xe1: {  	s21 =	sor.u32 s20, s19;
	[tilespmem:s18+$0x0] =	vst.add.f32.msk $0xffff, v1  }
0xe2: {  	s22 =	sor.u32 $0x10000, s21;
	s23 =	sor.u32 $0x10010, s21;
	s24 =	sor.u32 $0x10020, s21;
	v0 =	vld [tilespmem:s21+$0x70]  }
0xe3: {  	s20 =	sor.u32 $0x10030, s21;
	s19 =	sor.u32 $0x10040, s21;
	s17 =	sor.u32 $0x10050, s21;
	v4 =	vld [tilespmem:s21+$0x0]  }
0xe4: {  	s18 =	sor.u32 $0x10060, s21;
	v5 =	vld [tilespmem:s21+$0x10]  }
0xe5: {  	v6 =	vld [tilespmem:s21+$0x20]  }
0xe6: {  	s25 =	sor.u32 $0x10070, s21;
	v2 =	vld [tilespmem:s21+$0x30]  }
0xe7: {  	[tilespmem:s25+$0x0] =	vst.add.f32.msk $0xffff, v0  }
0xe8: {  	v3 =	vld [tilespmem:s21+$0x40]  }
.Ltmp4:
0xe9: {  	v0 =	vld [tilespmem:s21+$0x50];
	(pc) =	sbr.rel @p0 .LBB2_10-.Ltmp4, $4  }
0xea: {  	v1 =	vld [tilespmem:s21+$0x60]  }
0xeb: {  	[tilespmem:s22+$0x0] =	vst.add.f32.msk $0xffff, v4  }
0xec: {  	[tilespmem:s23+$0x0] =	vst.add.f32.msk $0xffff, v5  }
0xed: {  	[tilespmem:s24+$0x0] =	vst.add.f32.msk $0xffff, v6  }
0xee: {  	[tilespmem:s20+$0x0] =	vst.add.f32.msk $0xffff, v2  }
0xef: {  	[tilespmem:s19+$0x0] =	vst.add.f32.msk $0xffff, v3  }
0xf0: {  	[tilespmem:s17+$0x0] =	vst.add.f32.msk $0xffff, v0  }
0xf1: {  	[tilespmem:s18+$0x0] =	vst.add.f32.msk $0xffff, v1  }
0xf2: {  	s14 =	simm.s32 $0x0;
	s15 =	rddreg [dreg:$0xd]  }
0xf3: {  	[hbm4b:s15+s14] =	stream.linear.scatter [tilespmem:s6], [sflag:$0x4], $0x4000, $0x38;
	[tilespmem:$0x18000] =	vst v63  }
0xf4: {  	s21 =	rddreg [dreg:$0xe]  }
0xf5: {  	[tilespmem:s6], [sflag:$0x2] =	stream.linear.gather [hbm4b:s21+s14], $0x4000, $0x38;
	[tilespmem:$0x18000] =	vst v63  }
0xf6: {  	_ =	swait.ge [sflag:s10], $0x4000  }
0xf7: {  	[sflag:s10] =	ssyncset.done $0x0  }
0xf8: {  	s15 =	simm.s32 $0x0;
	[sflag:s10] =	ssyncadd.s32 $0xFFFFC000  }
0xf9: {  	s22 =	sand.u32 $0x380, s14;
	s16 =	sand.u32 $0x2000, s15;
	_ =	swait.ge [sflag:s12], $0x4000  }
0xfa: {  	s23 =	sand.u32 $0x1C00, s14;
	s16 =	sor.u32 s22, s16;
	[sflag:s12] =	ssyncset.done $0x0  }
0xfb: {  	s16 =	sor.u32 s23, s16;
	[sflag:s12] =	ssyncadd.s32 $0xFFFFC000  }
0xfc: {  	v0 =	vld [tilespmem:s16+$0x4070]  }
0xfd: {  	v4 =	vld [tilespmem:s16+$0x4000]  }
0xfe: {  	v5 =	vld [tilespmem:s16+$0x4010]  }
0xff: {  	v6 =	vld [tilespmem:s16+$0x4020]  }
0x100: {  	v2 =	vld [tilespmem:s16+$0x4030]  }
0x101: {  	v3 =	vld [tilespmem:s16+$0x4040]  }
0x102: {  	s24 =	sor.u32 $0x14070, s16;
	v1 =	vld [tilespmem:s16+$0x4060]  }
0x103: {  	[tilespmem:s24+$0x0] =	vst.add.f32.msk $0xffff, v0  }
0x104: {  	s25 =	sor.u32 $0x14000, s16;
	v0 =	vld [tilespmem:s16+$0x4050]  }
0x105: {  	s18 =	sor.u32 $0x14010, s16;
	[tilespmem:s25+$0x0] =	vst.add.f32.msk $0xffff, v4  }
0x106: {  	s21 =	sor.u32 $0x14020, s16;
	s20 =	sor.u32 $0x14030, s16;
	s19 =	sor.u32 $0x14040, s16;
	[tilespmem:s18+$0x0] =	vst.add.f32.msk $0xffff, v5  }
0x107: {  	s17 =	sor.u32 $0x14050, s16;
	s18 =	sor.u32 $0x14060, s16;
	[tilespmem:s21+$0x0] =	vst.add.f32.msk $0xffff, v6;
	s16 =	simm.s32 $0x0  }
.LBB2_12:
0x108: {  	s15 =	sadd.s32 $0x80, s15;
	[tilespmem:s20+$0x0] =	vst.add.f32.msk $0xffff, v2;
	s14 =	sadd.s32 $0x10, s14  }
0x109: {  	s16 =	sadd.s32 $0x400, s16;
	s20 =	sand.u32 $0x2000, s15;
	s21 =	sand.u32 $0x380, s14;
	[tilespmem:s19+$0x0] =	vst.add.f32.msk $0xffff, v3  }
0x10a: {  	s19 =	sand.u32 $0x1C00, s16;
	p0 =	slt.u32 s15, $0x3F80;
	s20 =	sor.u32 s21, s20;
	[tilespmem:s17+$0x0] =	vst.add.f32.msk $0xffff, v0  }
0x10b: {  	s21 =	sor.u32 s19, s20;
	[tilespmem:s18+$0x0] =	vst.add.f32.msk $0xffff, v1  }
0x10c: {  	s22 =	sor.u32 $0x14000, s21;
	s23 =	sor.u32 $0x14010, s21;
	s24 =	sor.u32 $0x14020, s21;
	v0 =	vld [tilespmem:s21+$0x4070]  }
0x10d: {  	s20 =	sor.u32 $0x14030, s21;
	s19 =	sor.u32 $0x14040, s21;
	s17 =	sor.u32 $0x14050, s21;
	v4 =	vld [tilespmem:s21+$0x4000]  }
0x10e: {  	s18 =	sor.u32 $0x14060, s21;
	v5 =	vld [tilespmem:s21+$0x4010]  }
0x10f: {  	v6 =	vld [tilespmem:s21+$0x4020]  }
0x110: {  	s25 =	sor.u32 $0x14070, s21;
	v2 =	vld [tilespmem:s21+$0x4030]  }
0x111: {  	[tilespmem:s25+$0x0] =	vst.add.f32.msk $0xffff, v0  }
0x112: {  	v3 =	vld [tilespmem:s21+$0x4040]  }
.Ltmp5:
0x113: {  	v0 =	vld [tilespmem:s21+$0x4050];
	(pc) =	sbr.rel @p0 .LBB2_12-.Ltmp5, $4  }
0x114: {  	v1 =	vld [tilespmem:s21+$0x4060]  }
0x115: {  	[tilespmem:s22+$0x0] =	vst.add.f32.msk $0xffff, v4  }
0x116: {  	[tilespmem:s23+$0x0] =	vst.add.f32.msk $0xffff, v5  }
0x117: {  	[tilespmem:s24+$0x0] =	vst.add.f32.msk $0xffff, v6  }
0x118: {  	[tilespmem:s20+$0x0] =	vst.add.f32.msk $0xffff, v2  }
0x119: {  	[tilespmem:s19+$0x0] =	vst.add.f32.msk $0xffff, v3  }
0x11a: {  	[tilespmem:s17+$0x0] =	vst.add.f32.msk $0xffff, v0  }
0x11b: {  	[tilespmem:s18+$0x0] =	vst.add.f32.msk $0xffff, v1  }
0x11c: {  	s14 =	simm.s32 $0x0;
	s15 =	rddreg [dreg:$0xf]  }
0x11d: {  	[hbm4b:s15+s14] =	stream.linear.scatter [tilespmem:s7], [sflag:$0x5], $0x4000, $0x38;
	[tilespmem:$0x18000] =	vst v63  }
0x11e: {  	s21 =	rddreg [dreg:$0x10]  }
0x11f: {  	[tilespmem:s7], [sflag:$0x3] =	stream.linear.gather [hbm4b:s21+s14], $0x4000, $0x38;
	[tilespmem:$0x18000] =	vst v63  }
0x120: {  	_ =	swait.ge [sflag:s8], $0x4000  }
0x121: {  	[sflag:s8] =	ssyncset.done $0x0  }
0x122: {  	s15 =	simm.s32 $0x0;
	[sflag:s8] =	ssyncadd.s32 $0xFFFFC000  }
0x123: {  	s22 =	sand.u32 $0x380, s14;
	s16 =	sand.u32 $0x2000, s15;
	_ =	swait.ge [sflag:s11], $0x4000  }
0x124: {  	s23 =	sand.u32 $0x1C00, s14;
	s16 =	sor.u32 s22, s16;
	[sflag:s11] =	ssyncset.done $0x0  }
0x125: {  	s16 =	sor.u32 s23, s16;
	[sflag:s11] =	ssyncadd.s32 $0xFFFFC000  }
0x126: {  	v0 =	vld [tilespmem:s16+$0x8070]  }
0x127: {  	v4 =	vld [tilespmem:s16+$0x8000]  }
0x128: {  	v5 =	vld [tilespmem:s16+$0x8010]  }
0x129: {  	v6 =	vld [tilespmem:s16+$0x8020]  }
0x12a: {  	v2 =	vld [tilespmem:s16+$0x8030]  }
0x12b: {  	v3 =	vld [tilespmem:s16+$0x8040]  }
0x12c: {  	s24 =	sor.u32 $0x10070, s16;
	v1 =	vld [tilespmem:s16+$0x8060]  }
0x12d: {  	[tilespmem:s24+$0x0] =	vst.add.f32.msk $0xffff, v0  }
0x12e: {  	s25 =	sor.u32 $0x10000, s16;
	v0 =	vld [tilespmem:s16+$0x8050]  }
0x12f: {  	s18 =	sor.u32 $0x10010, s16;
	[tilespmem:s25+$0x0] =	vst.add.f32.msk $0xffff, v4  }
0x130: {  	s21 =	sor.u32 $0x10020, s16;
	s20 =	sor.u32 $0x10030, s16;
	s19 =	sor.u32 $0x10040, s16;
	[tilespmem:s18+$0x0] =	vst.add.f32.msk $0xffff, v5  }
0x131: {  	s17 =	sor.u32 $0x10050, s16;
	s18 =	sor.u32 $0x10060, s16;
	[tilespmem:s21+$0x0] =	vst.add.f32.msk $0xffff, v6;
	s16 =	simm.s32 $0x0  }
.LBB2_14:
0x132: {  	s15 =	sadd.s32 $0x80, s15;
	[tilespmem:s20+$0x0] =	vst.add.f32.msk $0xffff, v2;
	s14 =	sadd.s32 $0x10, s14  }
0x133: {  	s16 =	sadd.s32 $0x400, s16;
	s20 =	sand.u32 $0x2000, s15;
	s21 =	sand.u32 $0x380, s14;
	[tilespmem:s19+$0x0] =	vst.add.f32.msk $0xffff, v3  }
0x134: {  	s19 =	sand.u32 $0x1C00, s16;
	p0 =	slt.u32 s15, $0x3F80;
	s20 =	sor.u32 s21, s20;
	[tilespmem:s17+$0x0] =	vst.add.f32.msk $0xffff, v0  }
0x135: {  	s21 =	sor.u32 s19, s20;
	[tilespmem:s18+$0x0] =	vst.add.f32.msk $0xffff, v1  }
0x136: {  	s22 =	sor.u32 $0x10000, s21;
	s23 =	sor.u32 $0x10010, s21;
	s24 =	sor.u32 $0x10020, s21;
	v0 =	vld [tilespmem:s21+$0x8070]  }
0x137: {  	s20 =	sor.u32 $0x10030, s21;
	s19 =	sor.u32 $0x10040, s21;
	s17 =	sor.u32 $0x10050, s21;
	v4 =	vld [tilespmem:s21+$0x8000]  }
0x138: {  	s18 =	sor.u32 $0x10060, s21;
	v5 =	vld [tilespmem:s21+$0x8010]  }
0x139: {  	v6 =	vld [tilespmem:s21+$0x8020]  }
0x13a: {  	s25 =	sor.u32 $0x10070, s21;
	v2 =	vld [tilespmem:s21+$0x8030]  }
0x13b: {  	[tilespmem:s25+$0x0] =	vst.add.f32.msk $0xffff, v0  }
0x13c: {  	v3 =	vld [tilespmem:s21+$0x8040]  }
.Ltmp6:
0x13d: {  	v0 =	vld [tilespmem:s21+$0x8050];
	(pc) =	sbr.rel @p0 .LBB2_14-.Ltmp6, $4  }
0x13e: {  	v1 =	vld [tilespmem:s21+$0x8060]  }
0x13f: {  	[tilespmem:s22+$0x0] =	vst.add.f32.msk $0xffff, v4  }
0x140: {  	[tilespmem:s23+$0x0] =	vst.add.f32.msk $0xffff, v5  }
0x141: {  	[tilespmem:s24+$0x0] =	vst.add.f32.msk $0xffff, v6  }
0x142: {  	[tilespmem:s20+$0x0] =	vst.add.f32.msk $0xffff, v2  }
0x143: {  	[tilespmem:s19+$0x0] =	vst.add.f32.msk $0xffff, v3  }
0x144: {  	[tilespmem:s17+$0x0] =	vst.add.f32.msk $0xffff, v0  }
0x145: {  	[tilespmem:s18+$0x0] =	vst.add.f32.msk $0xffff, v1  }
0x146: {  	s14 =	simm.s32 $0x0;
	s15 =	rddreg [dreg:$0x11]  }
0x147: {  	[hbm4b:s15+s14] =	stream.linear.scatter [tilespmem:s6], [sflag:$0x4], $0x4000, $0x38;
	[tilespmem:$0x18000] =	vst v63  }
0x148: {  	s21 =	rddreg [dreg:$0x12]  }
0x149: {  	[tilespmem:s6], [sflag:$0x2] =	stream.linear.gather [hbm4b:s21+s14], $0x4000, $0x38;
	[tilespmem:$0x18000] =	vst v63  }
0x14a: {  	_ =	swait.ge [sflag:s10], $0x4000  }
0x14b: {  	[sflag:s10] =	ssyncset.done $0x0  }
0x14c: {  	s15 =	simm.s32 $0x0;
	[sflag:s10] =	ssyncadd.s32 $0xFFFFC000  }
0x14d: {  	s22 =	sand.u32 $0x380, s14;
	s16 =	sand.u32 $0x2000, s15;
	_ =	swait.ge [sflag:s12], $0x4000  }
0x14e: {  	s23 =	sand.u32 $0x1C00, s14;
	s16 =	sor.u32 s22, s16;
	[sflag:s12] =	ssyncset.done $0x0  }
0x14f: {  	s16 =	sor.u32 s23, s16;
	[sflag:s12] =	ssyncadd.s32 $0xFFFFC000  }
0x150: {  	v0 =	vld [tilespmem:s16+$0xC070]  }
0x151: {  	v4 =	vld [tilespmem:s16+$0xC000]  }
0x152: {  	v5 =	vld [tilespmem:s16+$0xC010]  }
0x153: {  	v6 =	vld [tilespmem:s16+$0xC020]  }
0x154: {  	v2 =	vld [tilespmem:s16+$0xC030]  }
0x155: {  	v3 =	vld [tilespmem:s16+$0xC040]  }
0x156: {  	s24 =	sor.u32 $0x14070, s16;
	v1 =	vld [tilespmem:s16+$0xC060]  }
0x157: {  	[tilespmem:s24+$0x0] =	vst.add.f32.msk $0xffff, v0  }
0x158: {  	s25 =	sor.u32 $0x14000, s16;
	v0 =	vld [tilespmem:s16+$0xC050]  }
0x159: {  	s18 =	sor.u32 $0x14010, s16;
	[tilespmem:s25+$0x0] =	vst.add.f32.msk $0xffff, v4  }
0x15a: {  	s21 =	sor.u32 $0x14020, s16;
	s20 =	sor.u32 $0x14030, s16;
	s19 =	sor.u32 $0x14040, s16;
	[tilespmem:s18+$0x0] =	vst.add.f32.msk $0xffff, v5  }
0x15b: {  	s17 =	sor.u32 $0x14050, s16;
	s18 =	sor.u32 $0x14060, s16;
	[tilespmem:s21+$0x0] =	vst.add.f32.msk $0xffff, v6;
	s16 =	simm.s32 $0x0  }
.LBB2_16:
0x15c: {  	s15 =	sadd.s32 $0x80, s15;
	[tilespmem:s20+$0x0] =	vst.add.f32.msk $0xffff, v2;
	s14 =	sadd.s32 $0x10, s14  }
0x15d: {  	s16 =	sadd.s32 $0x400, s16;
	s20 =	sand.u32 $0x2000, s15;
	s21 =	sand.u32 $0x380, s14;
	[tilespmem:s19+$0x0] =	vst.add.f32.msk $0xffff, v3  }
0x15e: {  	s19 =	sand.u32 $0x1C00, s16;
	p0 =	slt.u32 s15, $0x3F80;
	s20 =	sor.u32 s21, s20;
	[tilespmem:s17+$0x0] =	vst.add.f32.msk $0xffff, v0  }
0x15f: {  	s21 =	sor.u32 s19, s20;
	[tilespmem:s18+$0x0] =	vst.add.f32.msk $0xffff, v1  }
0x160: {  	s22 =	sor.u32 $0x14000, s21;
	s23 =	sor.u32 $0x14010, s21;
	s24 =	sor.u32 $0x14020, s21;
	v0 =	vld [tilespmem:s21+$0xC070]  }
0x161: {  	s20 =	sor.u32 $0x14030, s21;
	s19 =	sor.u32 $0x14040, s21;
	s17 =	sor.u32 $0x14050, s21;
	v4 =	vld [tilespmem:s21+$0xC000]  }
0x162: {  	s18 =	sor.u32 $0x14060, s21;
	v5 =	vld [tilespmem:s21+$0xC010]  }
0x163: {  	v6 =	vld [tilespmem:s21+$0xC020]  }
0x164: {  	s25 =	sor.u32 $0x14070, s21;
	v2 =	vld [tilespmem:s21+$0xC030]  }
0x165: {  	[tilespmem:s25+$0x0] =	vst.add.f32.msk $0xffff, v0  }
0x166: {  	v3 =	vld [tilespmem:s21+$0xC040]  }
.Ltmp7:
0x167: {  	v0 =	vld [tilespmem:s21+$0xC050];
	(pc) =	sbr.rel @p0 .LBB2_16-.Ltmp7, $4  }
0x168: {  	v1 =	vld [tilespmem:s21+$0xC060]  }
0x169: {  	[tilespmem:s22+$0x0] =	vst.add.f32.msk $0xffff, v4  }
0x16a: {  	[tilespmem:s23+$0x0] =	vst.add.f32.msk $0xffff, v5  }
0x16b: {  	[tilespmem:s24+$0x0] =	vst.add.f32.msk $0xffff, v6  }
0x16c: {  	[tilespmem:s20+$0x0] =	vst.add.f32.msk $0xffff, v2  }
0x16d: {  	[tilespmem:s19+$0x0] =	vst.add.f32.msk $0xffff, v3  }
0x16e: {  	[tilespmem:s17+$0x0] =	vst.add.f32.msk $0xffff, v0  }
0x16f: {  	[tilespmem:s18+$0x0] =	vst.add.f32.msk $0xffff, v1  }
0x170: {  	s14 =	simm.s32 $0x0;
	s15 =	rddreg [dreg:$0x13]  }
0x171: {  	[hbm4b:s15+s14] =	stream.linear.scatter [tilespmem:s7], [sflag:$0x5], $0x4000, $0x38;
	[tilespmem:$0x18000] =	vst v63  }
0x172: {  	s21 =	rddreg [dreg:$0x14]  }
0x173: {  	[tilespmem:s7], [sflag:$0x3] =	stream.linear.gather [hbm4b:s21+s14], $0x4000, $0x38;
	[tilespmem:$0x18000] =	vst v63  }
0x174: {  	_ =	swait.ge [sflag:s8], $0x4000  }
0x175: {  	[sflag:s8] =	ssyncset.done $0x0  }
0x176: {  	s15 =	simm.s32 $0x0;
	[sflag:s8] =	ssyncadd.s32 $0xFFFFC000  }
0x177: {  	s22 =	sand.u32 $0x1C00, s14;
	s16 =	sand.u32 $0x2000, s15;
	_ =	swait.ge [sflag:s11], $0x4000  }
0x178: {  	s23 =	sand.u32 $0x380, s14;
	s16 =	sor.u32 s16, s22;
	[sflag:s11] =	ssyncset.done $0x0  }
0x179: {  	s16 =	sor.u32 s23, s16;
	[sflag:s11] =	ssyncadd.s32 $0xFFFFC000  }
0x17a: {  	v0 =	vld [tilespmem:s16+$0x70]  }
0x17b: {  	v4 =	vld [tilespmem:s16+$0x0]  }
0x17c: {  	v5 =	vld [tilespmem:s16+$0x10]  }
0x17d: {  	v6 =	vld [tilespmem:s16+$0x20]  }
0x17e: {  	v2 =	vld [tilespmem:s16+$0x30]  }
0x17f: {  	v3 =	vld [tilespmem:s16+$0x40]  }
0x180: {  	s17 =	sor.u32 $0x10070, s16;
	v1 =	vld [tilespmem:s16+$0x60]  }
0x181: {  	[tilespmem:s17+$0x0] =	vst.add.f32.msk $0xffff, v0  }
0x182: {  	s24 =	sor.u32 $0x10000, s16;
	v0 =	vld [tilespmem:s16+$0x50]  }
0x183: {  	s25 =	sor.u32 $0x10010, s16;
	[tilespmem:s24+$0x0] =	vst.add.f32.msk $0xffff, v4  }
0x184: {  	s21 =	sor.u32 $0x10020, s16;
	s20 =	sor.u32 $0x10030, s16;
	s19 =	sor.u32 $0x10040, s16;
	[tilespmem:s25+$0x0] =	vst.add.f32.msk $0xffff, v5  }
0x185: {  	s18 =	sor.u32 $0x10060, s16;
	s17 =	sor.u32 $0x10050, s16;
	[tilespmem:s21+$0x0] =	vst.add.f32.msk $0xffff, v6;
	s16 =	simm.s32 $0x0  }
.LBB2_18:
0x186: {  	s15 =	sadd.s32 $0x80, s15;
	[tilespmem:s20+$0x0] =	vst.add.f32.msk $0xffff, v2;
	s14 =	sadd.s32 $0x400, s14  }
0x187: {  	s16 =	sadd.s32 $0x10, s16;
	s20 =	sand.u32 $0x2000, s15;
	s21 =	sand.u32 $0x1C00, s14;
	[tilespmem:s19+$0x0] =	vst.add.f32.msk $0xffff, v3  }
0x188: {  	p0 =	slt.u32 s15, $0x3F80;
	s19 =	sor.u32 s20, s21;
	s20 =	sand.u32 $0x380, s16;
	[tilespmem:s17+$0x0] =	vst.add.f32.msk $0xffff, v0  }
0x189: {  	s21 =	sor.u32 s20, s19;
	[tilespmem:s18+$0x0] =	vst.add.f32.msk $0xffff, v1  }
0x18a: {  	s22 =	sor.u32 $0x10000, s21;
	s23 =	sor.u32 $0x10010, s21;
	s24 =	sor.u32 $0x10020, s21;
	v0 =	vld [tilespmem:s21+$0x70]  }
0x18b: {  	s20 =	sor.u32 $0x10030, s21;
	s19 =	sor.u32 $0x10040, s21;
	s17 =	sor.u32 $0x10050, s21;
	v4 =	vld [tilespmem:s21+$0x0]  }
0x18c: {  	s18 =	sor.u32 $0x10060, s21;
	v5 =	vld [tilespmem:s21+$0x10]  }
0x18d: {  	v6 =	vld [tilespmem:s21+$0x20]  }
0x18e: {  	s25 =	sor.u32 $0x10070, s21;
	v2 =	vld [tilespmem:s21+$0x30]  }
0x18f: {  	[tilespmem:s25+$0x0] =	vst.add.f32.msk $0xffff, v0  }
0x190: {  	v3 =	vld [tilespmem:s21+$0x40]  }
.Ltmp8:
0x191: {  	v0 =	vld [tilespmem:s21+$0x50];
	(pc) =	sbr.rel @p0 .LBB2_18-.Ltmp8, $4  }
0x192: {  	v1 =	vld [tilespmem:s21+$0x60]  }
0x193: {  	[tilespmem:s22+$0x0] =	vst.add.f32.msk $0xffff, v4  }
0x194: {  	[tilespmem:s23+$0x0] =	vst.add.f32.msk $0xffff, v5  }
0x195: {  	[tilespmem:s24+$0x0] =	vst.add.f32.msk $0xffff, v6  }
0x196: {  	[tilespmem:s20+$0x0] =	vst.add.f32.msk $0xffff, v2  }
0x197: {  	[tilespmem:s19+$0x0] =	vst.add.f32.msk $0xffff, v3  }
0x198: {  	[tilespmem:s17+$0x0] =	vst.add.f32.msk $0xffff, v0  }
0x199: {  	[tilespmem:s18+$0x0] =	vst.add.f32.msk $0xffff, v1  }
0x19a: {  	s14 =	simm.s32 $0x0;
	s15 =	rddreg [dreg:$0x15]  }
0x19b: {  	[hbm4b:s15+s14] =	stream.linear.scatter [tilespmem:s6], [sflag:$0x4], $0x4000, $0x38;
	[tilespmem:$0x18000] =	vst v63  }
0x19c: {  	s21 =	rddreg [dreg:$0x17]  }
0x19d: {  	[tilespmem:s6], [sflag:$0x2] =	stream.linear.gather [hbm4b:s21+s14], $0x4000, $0x38;
	[tilespmem:$0x18000] =	vst v63  }
0x19e: {  	_ =	swait.ge [sflag:s10], $0x4000  }
0x19f: {  	[sflag:s10] =	ssyncset.done $0x0  }
0x1a0: {  	s15 =	simm.s32 $0x0;
	[sflag:s10] =	ssyncadd.s32 $0xFFFFC000  }
0x1a1: {  	s22 =	sand.u32 $0x380, s14;
	s16 =	sand.u32 $0x2000, s15;
	_ =	swait.ge [sflag:s12], $0x4000  }
0x1a2: {  	s23 =	sand.u32 $0x1C00, s14;
	s16 =	sor.u32 s22, s16;
	[sflag:s12] =	ssyncset.done $0x0  }
0x1a3: {  	s16 =	sor.u32 s23, s16;
	[sflag:s12] =	ssyncadd.s32 $0xFFFFC000  }
0x1a4: {  	v0 =	vld [tilespmem:s16+$0x4070]  }
0x1a5: {  	v4 =	vld [tilespmem:s16+$0x4000]  }
0x1a6: {  	v5 =	vld [tilespmem:s16+$0x4010]  }
0x1a7: {  	v6 =	vld [tilespmem:s16+$0x4020]  }
0x1a8: {  	v2 =	vld [tilespmem:s16+$0x4030]  }
0x1a9: {  	v3 =	vld [tilespmem:s16+$0x4040]  }
0x1aa: {  	s24 =	sor.u32 $0x14070, s16;
	v1 =	vld [tilespmem:s16+$0x4060]  }
0x1ab: {  	[tilespmem:s24+$0x0] =	vst.add.f32.msk $0xffff, v0  }
0x1ac: {  	s25 =	sor.u32 $0x14000, s16;
	v0 =	vld [tilespmem:s16+$0x4050]  }
0x1ad: {  	s18 =	sor.u32 $0x14010, s16;
	[tilespmem:s25+$0x0] =	vst.add.f32.msk $0xffff, v4  }
0x1ae: {  	s21 =	sor.u32 $0x14020, s16;
	s20 =	sor.u32 $0x14030, s16;
	s19 =	sor.u32 $0x14040, s16;
	[tilespmem:s18+$0x0] =	vst.add.f32.msk $0xffff, v5  }
0x1af: {  	s17 =	sor.u32 $0x14050, s16;
	s18 =	sor.u32 $0x14060, s16;
	[tilespmem:s21+$0x0] =	vst.add.f32.msk $0xffff, v6;
	s16 =	simm.s32 $0x0  }
.LBB2_20:
0x1b0: {  	s15 =	sadd.s32 $0x80, s15;
	[tilespmem:s20+$0x0] =	vst.add.f32.msk $0xffff, v2;
	s14 =	sadd.s32 $0x10, s14  }
0x1b1: {  	s16 =	sadd.s32 $0x400, s16;
	s20 =	sand.u32 $0x2000, s15;
	s21 =	sand.u32 $0x380, s14;
	[tilespmem:s19+$0x0] =	vst.add.f32.msk $0xffff, v3  }
0x1b2: {  	s19 =	sand.u32 $0x1C00, s16;
	p0 =	slt.u32 s15, $0x3F80;
	s20 =	sor.u32 s21, s20;
	[tilespmem:s17+$0x0] =	vst.add.f32.msk $0xffff, v0  }
0x1b3: {  	s21 =	sor.u32 s19, s20;
	[tilespmem:s18+$0x0] =	vst.add.f32.msk $0xffff, v1  }
0x1b4: {  	s22 =	sor.u32 $0x14000, s21;
	s23 =	sor.u32 $0x14010, s21;
	s24 =	sor.u32 $0x14020, s21;
	v0 =	vld [tilespmem:s21+$0x4070]  }
0x1b5: {  	s20 =	sor.u32 $0x14030, s21;
	s19 =	sor.u32 $0x14040, s21;
	s17 =	sor.u32 $0x14050, s21;
	v4 =	vld [tilespmem:s21+$0x4000]  }
0x1b6: {  	s18 =	sor.u32 $0x14060, s21;
	v5 =	vld [tilespmem:s21+$0x4010]  }
0x1b7: {  	v6 =	vld [tilespmem:s21+$0x4020]  }
0x1b8: {  	s25 =	sor.u32 $0x14070, s21;
	v2 =	vld [tilespmem:s21+$0x4030]  }
0x1b9: {  	[tilespmem:s25+$0x0] =	vst.add.f32.msk $0xffff, v0  }
0x1ba: {  	v3 =	vld [tilespmem:s21+$0x4040]  }
.Ltmp9:
0x1bb: {  	v0 =	vld [tilespmem:s21+$0x4050];
	(pc) =	sbr.rel @p0 .LBB2_20-.Ltmp9, $4  }
0x1bc: {  	v1 =	vld [tilespmem:s21+$0x4060]  }
0x1bd: {  	[tilespmem:s22+$0x0] =	vst.add.f32.msk $0xffff, v4  }
0x1be: {  	[tilespmem:s23+$0x0] =	vst.add.f32.msk $0xffff, v5  }
0x1bf: {  	[tilespmem:s24+$0x0] =	vst.add.f32.msk $0xffff, v6  }
0x1c0: {  	[tilespmem:s20+$0x0] =	vst.add.f32.msk $0xffff, v2  }
0x1c1: {  	[tilespmem:s19+$0x0] =	vst.add.f32.msk $0xffff, v3  }
0x1c2: {  	[tilespmem:s17+$0x0] =	vst.add.f32.msk $0xffff, v0  }
0x1c3: {  	[tilespmem:s18+$0x0] =	vst.add.f32.msk $0xffff, v1  }
0x1c4: {  	s14 =	simm.s32 $0x0;
	s15 =	rddreg [dreg:$0x16]  }
0x1c5: {  	[hbm4b:s15+s14] =	stream.linear.scatter [tilespmem:s7], [sflag:$0x5], $0x4000, $0x38;
	[tilespmem:$0x18000] =	vst v63  }
0x1c6: {  	s21 =	rddreg [dreg:$0x19]  }
0x1c7: {  	[tilespmem:s7], [sflag:$0x3] =	stream.linear.gather [hbm4b:s21+s14], $0x4000, $0x38;
	[tilespmem:$0x18000] =	vst v63  }
0x1c8: {  	_ =	swait.ge [sflag:s8], $0x4000  }
0x1c9: {  	[sflag:s8] =	ssyncset.done $0x0  }
0x1ca: {  	s15 =	simm.s32 $0x0;
	[sflag:s8] =	ssyncadd.s32 $0xFFFFC000  }
0x1cb: {  	s22 =	sand.u32 $0x380, s14;
	s16 =	sand.u32 $0x2000, s15;
	_ =	swait.ge [sflag:s11], $0x4000  }
0x1cc: {  	s23 =	sand.u32 $0x1C00, s14;
	s16 =	sor.u32 s22, s16;
	[sflag:s11] =	ssyncset.done $0x0  }
0x1cd: {  	s16 =	sor.u32 s23, s16;
	[sflag:s11] =	ssyncadd.s32 $0xFFFFC000  }
0x1ce: {  	v0 =	vld [tilespmem:s16+$0x8070]  }
0x1cf: {  	v4 =	vld [tilespmem:s16+$0x8000]  }
0x1d0: {  	v5 =	vld [tilespmem:s16+$0x8010]  }
0x1d1: {  	v6 =	vld [tilespmem:s16+$0x8020]  }
0x1d2: {  	v2 =	vld [tilespmem:s16+$0x8030]  }
0x1d3: {  	v3 =	vld [tilespmem:s16+$0x8040]  }
0x1d4: {  	s24 =	sor.u32 $0x10070, s16;
	v1 =	vld [tilespmem:s16+$0x8060]  }
0x1d5: {  	[tilespmem:s24+$0x0] =	vst.add.f32.msk $0xffff, v0  }
0x1d6: {  	s25 =	sor.u32 $0x10000, s16;
	v0 =	vld [tilespmem:s16+$0x8050]  }
0x1d7: {  	s18 =	sor.u32 $0x10010, s16;
	[tilespmem:s25+$0x0] =	vst.add.f32.msk $0xffff, v4  }
0x1d8: {  	s21 =	sor.u32 $0x10020, s16;
	s20 =	sor.u32 $0x10030, s16;
	s19 =	sor.u32 $0x10040, s16;
	[tilespmem:s18+$0x0] =	vst.add.f32.msk $0xffff, v5  }
0x1d9: {  	s17 =	sor.u32 $0x10050, s16;
	s18 =	sor.u32 $0x10060, s16;
	[tilespmem:s21+$0x0] =	vst.add.f32.msk $0xffff, v6;
	s16 =	simm.s32 $0x0  }
.LBB2_22:
0x1da: {  	s15 =	sadd.s32 $0x80, s15;
	[tilespmem:s20+$0x0] =	vst.add.f32.msk $0xffff, v2;
	s14 =	sadd.s32 $0x10, s14  }
0x1db: {  	s16 =	sadd.s32 $0x400, s16;
	s20 =	sand.u32 $0x2000, s15;
	s21 =	sand.u32 $0x380, s14;
	[tilespmem:s19+$0x0] =	vst.add.f32.msk $0xffff, v3  }
0x1dc: {  	s19 =	sand.u32 $0x1C00, s16;
	p0 =	slt.u32 s15, $0x3F80;
	s20 =	sor.u32 s21, s20;
	[tilespmem:s17+$0x0] =	vst.add.f32.msk $0xffff, v0  }
0x1dd: {  	s21 =	sor.u32 s19, s20;
	[tilespmem:s18+$0x0] =	vst.add.f32.msk $0xffff, v1  }
0x1de: {  	s22 =	sor.u32 $0x10000, s21;
	s23 =	sor.u32 $0x10010, s21;
	s24 =	sor.u32 $0x10020, s21;
	v0 =	vld [tilespmem:s21+$0x8070]  }
0x1df: {  	s20 =	sor.u32 $0x10030, s21;
	s19 =	sor.u32 $0x10040, s21;
	s17 =	sor.u32 $0x10050, s21;
	v4 =	vld [tilespmem:s21+$0x8000]  }
0x1e0: {  	s18 =	sor.u32 $0x10060, s21;
	v5 =	vld [tilespmem:s21+$0x8010]  }
0x1e1: {  	v6 =	vld [tilespmem:s21+$0x8020]  }
0x1e2: {  	s25 =	sor.u32 $0x10070, s21;
	v2 =	vld [tilespmem:s21+$0x8030]  }
0x1e3: {  	[tilespmem:s25+$0x0] =	vst.add.f32.msk $0xffff, v0  }
0x1e4: {  	v3 =	vld [tilespmem:s21+$0x8040]  }
.Ltmp10:
0x1e5: {  	v0 =	vld [tilespmem:s21+$0x8050];
	(pc) =	sbr.rel @p0 .LBB2_22-.Ltmp10, $4  }
0x1e6: {  	v1 =	vld [tilespmem:s21+$0x8060]  }
0x1e7: {  	[tilespmem:s22+$0x0] =	vst.add.f32.msk $0xffff, v4  }
0x1e8: {  	[tilespmem:s23+$0x0] =	vst.add.f32.msk $0xffff, v5  }
0x1e9: {  	[tilespmem:s24+$0x0] =	vst.add.f32.msk $0xffff, v6  }
0x1ea: {  	[tilespmem:s20+$0x0] =	vst.add.f32.msk $0xffff, v2  }
0x1eb: {  	[tilespmem:s19+$0x0] =	vst.add.f32.msk $0xffff, v3  }
0x1ec: {  	[tilespmem:s17+$0x0] =	vst.add.f32.msk $0xffff, v0  }
0x1ed: {  	[tilespmem:s18+$0x0] =	vst.add.f32.msk $0xffff, v1  }
0x1ee: {  	s14 =	simm.s32 $0x0;
	s15 =	rddreg [dreg:$0x18]  }
0x1ef: {  	[hbm4b:s15+s14] =	stream.linear.scatter [tilespmem:s6], [sflag:$0x4], $0x4000, $0x38;
	[tilespmem:$0x18000] =	vst v63  }
0x1f0: {  	s21 =	rddreg [dreg:$0x1b]  }
0x1f1: {  	[tilespmem:s6], [sflag:$0x2] =	stream.linear.gather [hbm4b:s21+s14], $0x4000, $0x38;
	[tilespmem:$0x18000] =	vst v63  }
0x1f2: {  	_ =	swait.ge [sflag:s10], $0x4000  }
0x1f3: {  	[sflag:s10] =	ssyncset.done $0x0  }
0x1f4: {  	s15 =	simm.s32 $0x0;
	[sflag:s10] =	ssyncadd.s32 $0xFFFFC000  }
0x1f5: {  	s22 =	sand.u32 $0x380, s14;
	s16 =	sand.u32 $0x2000, s15;
	_ =	swait.ge [sflag:s12], $0x4000  }
0x1f6: {  	s23 =	sand.u32 $0x1C00, s14;
	s16 =	sor.u32 s22, s16;
	[sflag:s12] =	ssyncset.done $0x0  }
0x1f7: {  	s16 =	sor.u32 s23, s16;
	[sflag:s12] =	ssyncadd.s32 $0xFFFFC000  }
0x1f8: {  	v0 =	vld [tilespmem:s16+$0xC070]  }
0x1f9: {  	v4 =	vld [tilespmem:s16+$0xC000]  }
0x1fa: {  	v5 =	vld [tilespmem:s16+$0xC010]  }
0x1fb: {  	v6 =	vld [tilespmem:s16+$0xC020]  }
0x1fc: {  	v2 =	vld [tilespmem:s16+$0xC030]  }
0x1fd: {  	v3 =	vld [tilespmem:s16+$0xC040]  }
0x1fe: {  	s24 =	sor.u32 $0x14070, s16;
	v1 =	vld [tilespmem:s16+$0xC060]  }
0x1ff: {  	[tilespmem:s24+$0x0] =	vst.add.f32.msk $0xffff, v0  }
0x200: {  	s25 =	sor.u32 $0x14000, s16;
	v0 =	vld [tilespmem:s16+$0xC050]  }
0x201: {  	s18 =	sor.u32 $0x14010, s16;
	[tilespmem:s25+$0x0] =	vst.add.f32.msk $0xffff, v4  }
0x202: {  	s21 =	sor.u32 $0x14020, s16;
	s20 =	sor.u32 $0x14030, s16;
	s19 =	sor.u32 $0x14040, s16;
	[tilespmem:s18+$0x0] =	vst.add.f32.msk $0xffff, v5  }
0x203: {  	s17 =	sor.u32 $0x14050, s16;
	s18 =	sor.u32 $0x14060, s16;
	[tilespmem:s21+$0x0] =	vst.add.f32.msk $0xffff, v6;
	s16 =	simm.s32 $0x0  }
.LBB2_24:
0x204: {  	s15 =	sadd.s32 $0x80, s15;
	[tilespmem:s20+$0x0] =	vst.add.f32.msk $0xffff, v2;
	s14 =	sadd.s32 $0x10, s14  }
0x205: {  	s16 =	sadd.s32 $0x400, s16;
	s20 =	sand.u32 $0x2000, s15;
	s21 =	sand.u32 $0x380, s14;
	[tilespmem:s19+$0x0] =	vst.add.f32.msk $0xffff, v3  }
0x206: {  	s19 =	sand.u32 $0x1C00, s16;
	p0 =	slt.u32 s15, $0x3F80;
	s20 =	sor.u32 s21, s20;
	[tilespmem:s17+$0x0] =	vst.add.f32.msk $0xffff, v0  }
0x207: {  	s21 =	sor.u32 s19, s20;
	[tilespmem:s18+$0x0] =	vst.add.f32.msk $0xffff, v1  }
0x208: {  	s22 =	sor.u32 $0x14000, s21;
	s23 =	sor.u32 $0x14010, s21;
	s24 =	sor.u32 $0x14020, s21;
	v0 =	vld [tilespmem:s21+$0xC070]  }
0x209: {  	s20 =	sor.u32 $0x14030, s21;
	s19 =	sor.u32 $0x14040, s21;
	s17 =	sor.u32 $0x14050, s21;
	v4 =	vld [tilespmem:s21+$0xC000]  }
0x20a: {  	s18 =	sor.u32 $0x14060, s21;
	v5 =	vld [tilespmem:s21+$0xC010]  }
0x20b: {  	v6 =	vld [tilespmem:s21+$0xC020]  }
0x20c: {  	s25 =	sor.u32 $0x14070, s21;
	v2 =	vld [tilespmem:s21+$0xC030]  }
0x20d: {  	[tilespmem:s25+$0x0] =	vst.add.f32.msk $0xffff, v0  }
0x20e: {  	v3 =	vld [tilespmem:s21+$0xC040]  }
.Ltmp11:
0x20f: {  	v0 =	vld [tilespmem:s21+$0xC050];
	(pc) =	sbr.rel @p0 .LBB2_24-.Ltmp11, $4  }
0x210: {  	v1 =	vld [tilespmem:s21+$0xC060]  }
0x211: {  	[tilespmem:s22+$0x0] =	vst.add.f32.msk $0xffff, v4  }
0x212: {  	[tilespmem:s23+$0x0] =	vst.add.f32.msk $0xffff, v5  }
0x213: {  	[tilespmem:s24+$0x0] =	vst.add.f32.msk $0xffff, v6  }
0x214: {  	[tilespmem:s20+$0x0] =	vst.add.f32.msk $0xffff, v2  }
0x215: {  	[tilespmem:s19+$0x0] =	vst.add.f32.msk $0xffff, v3  }
0x216: {  	[tilespmem:s17+$0x0] =	vst.add.f32.msk $0xffff, v0  }
0x217: {  	[tilespmem:s18+$0x0] =	vst.add.f32.msk $0xffff, v1  }
0x218: {  	s14 =	simm.s32 $0x0;
	s15 =	rddreg [dreg:$0x1a]  }
0x219: {  	[hbm4b:s15+s14] =	stream.linear.scatter [tilespmem:s7], [sflag:$0x5], $0x4000, $0x38;
	[tilespmem:$0x18000] =	vst v63  }
0x21a: {  	_ = 	snop  }
0x21b: {  	[tilespmem:s7], [sflag:$0x3] =	stream.linear.gather [hbm4b:s28+s14], $0x4000, $0x38;
	[tilespmem:$0x18000] =	vst v63  }
0x21c: {  	_ =	swait.ge [sflag:s8], $0x4000  }
0x21d: {  	[sflag:s8] =	ssyncset.done $0x0  }
0x21e: {  	s15 =	simm.s32 $0x0;
	[sflag:s8] =	ssyncadd.s32 $0xFFFFC000  }
0x21f: {  	s22 =	sand.u32 $0x1C00, s14;
	s16 =	sand.u32 $0x2000, s15;
	_ =	swait.ge [sflag:s11], $0x4000  }
0x220: {  	s23 =	sand.u32 $0x380, s14;
	s16 =	sor.u32 s16, s22;
	[sflag:s11] =	ssyncset.done $0x0  }
0x221: {  	s16 =	sor.u32 s23, s16;
	[sflag:s11] =	ssyncadd.s32 $0xFFFFC000  }
0x222: {  	v0 =	vld [tilespmem:s16+$0x70]  }
0x223: {  	v4 =	vld [tilespmem:s16+$0x0]  }
0x224: {  	v5 =	vld [tilespmem:s16+$0x10]  }
0x225: {  	v6 =	vld [tilespmem:s16+$0x20]  }
0x226: {  	v2 =	vld [tilespmem:s16+$0x30]  }
0x227: {  	v3 =	vld [tilespmem:s16+$0x40]  }
0x228: {  	s17 =	sor.u32 $0x10070, s16;
	v1 =	vld [tilespmem:s16+$0x60]  }
0x229: {  	[tilespmem:s17+$0x0] =	vst.add.f32.msk $0xffff, v0  }
0x22a: {  	s24 =	sor.u32 $0x10000, s16;
	v0 =	vld [tilespmem:s16+$0x50]  }
0x22b: {  	s25 =	sor.u32 $0x10010, s16;
	[tilespmem:s24+$0x0] =	vst.add.f32.msk $0xffff, v4  }
0x22c: {  	s21 =	sor.u32 $0x10020, s16;
	s20 =	sor.u32 $0x10030, s16;
	s19 =	sor.u32 $0x10040, s16;
	[tilespmem:s25+$0x0] =	vst.add.f32.msk $0xffff, v5  }
0x22d: {  	s18 =	sor.u32 $0x10060, s16;
	s17 =	sor.u32 $0x10050, s16;
	[tilespmem:s21+$0x0] =	vst.add.f32.msk $0xffff, v6;
	s16 =	simm.s32 $0x0  }
.LBB2_26:
0x22e: {  	s15 =	sadd.s32 $0x80, s15;
	[tilespmem:s20+$0x0] =	vst.add.f32.msk $0xffff, v2;
	s14 =	sadd.s32 $0x400, s14  }
0x22f: {  	s16 =	sadd.s32 $0x10, s16;
	s20 =	sand.u32 $0x2000, s15;
	s21 =	sand.u32 $0x1C00, s14;
	[tilespmem:s19+$0x0] =	vst.add.f32.msk $0xffff, v3  }
0x230: {  	p0 =	slt.u32 s15, $0x3F80;
	s19 =	sor.u32 s20, s21;
	s20 =	sand.u32 $0x380, s16;
	[tilespmem:s17+$0x0] =	vst.add.f32.msk $0xffff, v0  }
0x231: {  	s21 =	sor.u32 s20, s19;
	[tilespmem:s18+$0x0] =	vst.add.f32.msk $0xffff, v1  }
0x232: {  	s22 =	sor.u32 $0x10000, s21;
	s23 =	sor.u32 $0x10010, s21;
	s24 =	sor.u32 $0x10020, s21;
	v0 =	vld [tilespmem:s21+$0x70]  }
0x233: {  	s20 =	sor.u32 $0x10030, s21;
	s19 =	sor.u32 $0x10040, s21;
	s17 =	sor.u32 $0x10050, s21;
	v4 =	vld [tilespmem:s21+$0x0]  }
0x234: {  	s18 =	sor.u32 $0x10060, s21;
	v5 =	vld [tilespmem:s21+$0x10]  }
0x235: {  	v6 =	vld [tilespmem:s21+$0x20]  }
0x236: {  	s25 =	sor.u32 $0x10070, s21;
	v2 =	vld [tilespmem:s21+$0x30]  }
0x237: {  	[tilespmem:s25+$0x0] =	vst.add.f32.msk $0xffff, v0  }
0x238: {  	v3 =	vld [tilespmem:s21+$0x40]  }
.Ltmp12:
0x239: {  	v0 =	vld [tilespmem:s21+$0x50];
	(pc) =	sbr.rel @p0 .LBB2_26-.Ltmp12, $4  }
0x23a: {  	v1 =	vld [tilespmem:s21+$0x60]  }
0x23b: {  	[tilespmem:s22+$0x0] =	vst.add.f32.msk $0xffff, v4  }
0x23c: {  	[tilespmem:s23+$0x0] =	vst.add.f32.msk $0xffff, v5  }
0x23d: {  	[tilespmem:s24+$0x0] =	vst.add.f32.msk $0xffff, v6  }
0x23e: {  	[tilespmem:s20+$0x0] =	vst.add.f32.msk $0xffff, v2  }
0x23f: {  	[tilespmem:s19+$0x0] =	vst.add.f32.msk $0xffff, v3  }
0x240: {  	[tilespmem:s17+$0x0] =	vst.add.f32.msk $0xffff, v0  }
0x241: {  	s14 =	simm.s32 $0x0;
	[tilespmem:s18+$0x0] =	vst.add.f32.msk $0xffff, v1  }
0x242: {  	[hbm4b:s26+s14] =	stream.linear.scatter [tilespmem:s6], [sflag:$0x4], $0x4000, $0x38;
	[tilespmem:$0x18000] =	vst v63  }
0x243: {  	_ = 	snop  }
0x244: {  	[tilespmem:s6], [sflag:$0x2] =	stream.linear.gather [hbm4b:s0+s14], $0x4000, $0x38;
	[tilespmem:$0x18000] =	vst v63  }
0x245: {  	_ =	swait.ge [sflag:s10], $0x4000  }
0x246: {  	[sflag:s10] =	ssyncset.done $0x0  }
0x247: {  	s15 =	simm.s32 $0x0;
	[sflag:s10] =	ssyncadd.s32 $0xFFFFC000  }
0x248: {  	s16 =	sand.u32 $0x2000, s15;
	s22 =	sand.u32 $0x380, s14;
	_ =	swait.ge [sflag:s12], $0x4000  }
0x249: {  	s23 =	sand.u32 $0x1C00, s14;
	s16 =	sor.u32 s22, s16;
	[sflag:s12] =	ssyncset.done $0x0  }
0x24a: {  	s16 =	sor.u32 s23, s16;
	[sflag:s12] =	ssyncadd.s32 $0xFFFFC000  }
0x24b: {  	v0 =	vld [tilespmem:s16+$0x4070]  }
0x24c: {  	v4 =	vld [tilespmem:s16+$0x4000]  }
0x24d: {  	v5 =	vld [tilespmem:s16+$0x4010]  }
0x24e: {  	v6 =	vld [tilespmem:s16+$0x4020]  }
0x24f: {  	v2 =	vld [tilespmem:s16+$0x4030]  }
0x250: {  	v3 =	vld [tilespmem:s16+$0x4040]  }
0x251: {  	s24 =	sor.u32 $0x14070, s16;
	v1 =	vld [tilespmem:s16+$0x4060]  }
0x252: {  	[tilespmem:s24+$0x0] =	vst.add.f32.msk $0xffff, v0  }
0x253: {  	s25 =	sor.u32 $0x14000, s16;
	v0 =	vld [tilespmem:s16+$0x4050]  }
0x254: {  	s18 =	sor.u32 $0x14010, s16;
	[tilespmem:s25+$0x0] =	vst.add.f32.msk $0xffff, v4  }
0x255: {  	s21 =	sor.u32 $0x14020, s16;
	s20 =	sor.u32 $0x14030, s16;
	s19 =	sor.u32 $0x14040, s16;
	[tilespmem:s18+$0x0] =	vst.add.f32.msk $0xffff, v5  }
0x256: {  	s17 =	sor.u32 $0x14050, s16;
	s18 =	sor.u32 $0x14060, s16;
	[tilespmem:s21+$0x0] =	vst.add.f32.msk $0xffff, v6;
	s16 =	simm.s32 $0x0  }
.LBB2_28:
0x257: {  	s15 =	sadd.s32 $0x80, s15;
	[tilespmem:s20+$0x0] =	vst.add.f32.msk $0xffff, v2;
	s14 =	sadd.s32 $0x10, s14  }
0x258: {  	s16 =	sadd.s32 $0x400, s16;
	s20 =	sand.u32 $0x2000, s15;
	s21 =	sand.u32 $0x380, s14;
	[tilespmem:s19+$0x0] =	vst.add.f32.msk $0xffff, v3  }
0x259: {  	s19 =	sand.u32 $0x1C00, s16;
	p0 =	slt.u32 s15, $0x3F80;
	s20 =	sor.u32 s21, s20;
	[tilespmem:s17+$0x0] =	vst.add.f32.msk $0xffff, v0  }
0x25a: {  	s21 =	sor.u32 s19, s20;
	[tilespmem:s18+$0x0] =	vst.add.f32.msk $0xffff, v1  }
0x25b: {  	s22 =	sor.u32 $0x14000, s21;
	s23 =	sor.u32 $0x14010, s21;
	s24 =	sor.u32 $0x14020, s21;
	v0 =	vld [tilespmem:s21+$0x4070]  }
0x25c: {  	s20 =	sor.u32 $0x14030, s21;
	s19 =	sor.u32 $0x14040, s21;
	s17 =	sor.u32 $0x14050, s21;
	v4 =	vld [tilespmem:s21+$0x4000]  }
0x25d: {  	s18 =	sor.u32 $0x14060, s21;
	v5 =	vld [tilespmem:s21+$0x4010]  }
0x25e: {  	v6 =	vld [tilespmem:s21+$0x4020]  }
0x25f: {  	s25 =	sor.u32 $0x14070, s21;
	v2 =	vld [tilespmem:s21+$0x4030]  }
0x260: {  	[tilespmem:s25+$0x0] =	vst.add.f32.msk $0xffff, v0  }
0x261: {  	v3 =	vld [tilespmem:s21+$0x4040]  }
.Ltmp13:
0x262: {  	v0 =	vld [tilespmem:s21+$0x4050];
	(pc) =	sbr.rel @p0 .LBB2_28-.Ltmp13, $4  }
0x263: {  	v1 =	vld [tilespmem:s21+$0x4060]  }
0x264: {  	[tilespmem:s22+$0x0] =	vst.add.f32.msk $0xffff, v4  }
0x265: {  	[tilespmem:s23+$0x0] =	vst.add.f32.msk $0xffff, v5  }
0x266: {  	[tilespmem:s24+$0x0] =	vst.add.f32.msk $0xffff, v6  }
0x267: {  	[tilespmem:s20+$0x0] =	vst.add.f32.msk $0xffff, v2  }
0x268: {  	[tilespmem:s19+$0x0] =	vst.add.f32.msk $0xffff, v3  }
0x269: {  	[tilespmem:s17+$0x0] =	vst.add.f32.msk $0xffff, v0  }
0x26a: {  	s14 =	simm.s32 $0x0;
	[tilespmem:s18+$0x0] =	vst.add.f32.msk $0xffff, v1  }
0x26b: {  	[hbm4b:s29+s14] =	stream.linear.scatter [tilespmem:s7], [sflag:$0x5], $0x4000, $0x38;
	[tilespmem:$0x18000] =	vst v63  }
0x26c: {  	_ = 	snop  }
0x26d: {  	[tilespmem:s7], [sflag:$0x3] =	stream.linear.gather [hbm4b:s2+s14], $0x4000, $0x38;
	[tilespmem:$0x18000] =	vst v63  }
0x26e: {  	_ =	swait.ge [sflag:s8], $0x4000  }
0x26f: {  	[sflag:s8] =	ssyncset.done $0x0  }
0x270: {  	s15 =	simm.s32 $0x0;
	[sflag:s8] =	ssyncadd.s32 $0xFFFFC000  }
0x271: {  	s16 =	sand.u32 $0x2000, s15;
	s22 =	sand.u32 $0x380, s14;
	_ =	swait.ge [sflag:s11], $0x4000  }
0x272: {  	s23 =	sand.u32 $0x1C00, s14;
	s16 =	sor.u32 s22, s16;
	[sflag:s11] =	ssyncset.done $0x0  }
0x273: {  	s16 =	sor.u32 s23, s16;
	[sflag:s11] =	ssyncadd.s32 $0xFFFFC000  }
0x274: {  	v0 =	vld [tilespmem:s16+$0x8070]  }
0x275: {  	v4 =	vld [tilespmem:s16+$0x8000]  }
0x276: {  	v5 =	vld [tilespmem:s16+$0x8010]  }
0x277: {  	v6 =	vld [tilespmem:s16+$0x8020]  }
0x278: {  	v2 =	vld [tilespmem:s16+$0x8030]  }
0x279: {  	v3 =	vld [tilespmem:s16+$0x8040]  }
0x27a: {  	s24 =	sor.u32 $0x10070, s16;
	v1 =	vld [tilespmem:s16+$0x8060]  }
0x27b: {  	[tilespmem:s24+$0x0] =	vst.add.f32.msk $0xffff, v0  }
0x27c: {  	s25 =	sor.u32 $0x10000, s16;
	v0 =	vld [tilespmem:s16+$0x8050]  }
0x27d: {  	s18 =	sor.u32 $0x10010, s16;
	[tilespmem:s25+$0x0] =	vst.add.f32.msk $0xffff, v4  }
0x27e: {  	s21 =	sor.u32 $0x10020, s16;
	s20 =	sor.u32 $0x10030, s16;
	s19 =	sor.u32 $0x10040, s16;
	[tilespmem:s18+$0x0] =	vst.add.f32.msk $0xffff, v5  }
0x27f: {  	s17 =	sor.u32 $0x10050, s16;
	s18 =	sor.u32 $0x10060, s16;
	[tilespmem:s21+$0x0] =	vst.add.f32.msk $0xffff, v6;
	s16 =	simm.s32 $0x0  }
.LBB2_30:
0x280: {  	s15 =	sadd.s32 $0x80, s15;
	[tilespmem:s20+$0x0] =	vst.add.f32.msk $0xffff, v2;
	s14 =	sadd.s32 $0x10, s14  }
0x281: {  	s16 =	sadd.s32 $0x400, s16;
	s20 =	sand.u32 $0x2000, s15;
	s21 =	sand.u32 $0x380, s14;
	[tilespmem:s19+$0x0] =	vst.add.f32.msk $0xffff, v3  }
0x282: {  	s19 =	sand.u32 $0x1C00, s16;
	p0 =	slt.u32 s15, $0x3F80;
	s20 =	sor.u32 s21, s20;
	[tilespmem:s17+$0x0] =	vst.add.f32.msk $0xffff, v0  }
0x283: {  	s21 =	sor.u32 s19, s20;
	[tilespmem:s18+$0x0] =	vst.add.f32.msk $0xffff, v1  }
0x284: {  	s22 =	sor.u32 $0x10000, s21;
	s23 =	sor.u32 $0x10010, s21;
	s24 =	sor.u32 $0x10020, s21;
	v0 =	vld [tilespmem:s21+$0x8070]  }
0x285: {  	s20 =	sor.u32 $0x10030, s21;
	s19 =	sor.u32 $0x10040, s21;
	s17 =	sor.u32 $0x10050, s21;
	v4 =	vld [tilespmem:s21+$0x8000]  }
0x286: {  	s18 =	sor.u32 $0x10060, s21;
	v5 =	vld [tilespmem:s21+$0x8010]  }
0x287: {  	v6 =	vld [tilespmem:s21+$0x8020]  }
0x288: {  	s25 =	sor.u32 $0x10070, s21;
	v2 =	vld [tilespmem:s21+$0x8030]  }
0x289: {  	[tilespmem:s25+$0x0] =	vst.add.f32.msk $0xffff, v0  }
0x28a: {  	v3 =	vld [tilespmem:s21+$0x8040]  }
.Ltmp14:
0x28b: {  	v0 =	vld [tilespmem:s21+$0x8050];
	(pc) =	sbr.rel @p0 .LBB2_30-.Ltmp14, $4  }
0x28c: {  	v1 =	vld [tilespmem:s21+$0x8060]  }
0x28d: {  	[tilespmem:s22+$0x0] =	vst.add.f32.msk $0xffff, v4  }
0x28e: {  	[tilespmem:s23+$0x0] =	vst.add.f32.msk $0xffff, v5  }
0x28f: {  	[tilespmem:s24+$0x0] =	vst.add.f32.msk $0xffff, v6  }
0x290: {  	[tilespmem:s20+$0x0] =	vst.add.f32.msk $0xffff, v2  }
0x291: {  	[tilespmem:s19+$0x0] =	vst.add.f32.msk $0xffff, v3  }
0x292: {  	[tilespmem:s17+$0x0] =	vst.add.f32.msk $0xffff, v0  }
0x293: {  	s14 =	simm.s32 $0x0;
	[tilespmem:s18+$0x0] =	vst.add.f32.msk $0xffff, v1  }
0x294: {  	[hbm4b:s3+s14] =	stream.linear.scatter [tilespmem:s6], [sflag:$0x4], $0x4000, $0x38;
	[tilespmem:$0x18000] =	vst v63  }
0x295: {  	_ =	swait.ge [sflag:s10], $0x4000  }
0x296: {  	[sflag:s10] =	ssyncset.done $0x0  }
0x297: {  	s15 =	simm.s32 $0x0;
	[sflag:s10] =	ssyncadd.s32 $0xFFFFC000  }
0x298: {  	s16 =	sand.u32 $0x2000, s15;
	s22 =	sand.u32 $0x380, s14;
	_ =	swait.ge [sflag:s12], $0x4000  }
0x299: {  	s23 =	sand.u32 $0x1C00, s14;
	s16 =	sor.u32 s22, s16;
	[sflag:s12] =	ssyncset.done $0x0  }
0x29a: {  	s16 =	sor.u32 s23, s16;
	[sflag:s12] =	ssyncadd.s32 $0xFFFFC000  }
0x29b: {  	v0 =	vld [tilespmem:s16+$0xC070]  }
0x29c: {  	v4 =	vld [tilespmem:s16+$0xC000]  }
0x29d: {  	v5 =	vld [tilespmem:s16+$0xC010]  }
0x29e: {  	v6 =	vld [tilespmem:s16+$0xC020]  }
0x29f: {  	v2 =	vld [tilespmem:s16+$0xC030]  }
0x2a0: {  	v3 =	vld [tilespmem:s16+$0xC040]  }
0x2a1: {  	s24 =	sor.u32 $0x14070, s16;
	v1 =	vld [tilespmem:s16+$0xC060]  }
0x2a2: {  	[tilespmem:s24+$0x0] =	vst.add.f32.msk $0xffff, v0  }
0x2a3: {  	s25 =	sor.u32 $0x14000, s16;
	v0 =	vld [tilespmem:s16+$0xC050]  }
0x2a4: {  	s18 =	sor.u32 $0x14010, s16;
	[tilespmem:s25+$0x0] =	vst.add.f32.msk $0xffff, v4  }
0x2a5: {  	s21 =	sor.u32 $0x14020, s16;
	s20 =	sor.u32 $0x14030, s16;
	s19 =	sor.u32 $0x14040, s16;
	[tilespmem:s18+$0x0] =	vst.add.f32.msk $0xffff, v5  }
0x2a6: {  	s17 =	sor.u32 $0x14050, s16;
	s18 =	sor.u32 $0x14060, s16;
	[tilespmem:s21+$0x0] =	vst.add.f32.msk $0xffff, v6;
	s16 =	simm.s32 $0x0  }
.LBB2_32:
0x2a7: {  	s15 =	sadd.s32 $0x80, s15;
	[tilespmem:s20+$0x0] =	vst.add.f32.msk $0xffff, v2;
	s14 =	sadd.s32 $0x10, s14  }
0x2a8: {  	s16 =	sadd.s32 $0x400, s16;
	s20 =	sand.u32 $0x2000, s15;
	s21 =	sand.u32 $0x380, s14;
	[tilespmem:s19+$0x0] =	vst.add.f32.msk $0xffff, v3  }
0x2a9: {  	s19 =	sand.u32 $0x1C00, s16;
	p0 =	slt.u32 s15, $0x3F80;
	s20 =	sor.u32 s21, s20;
	[tilespmem:s17+$0x0] =	vst.add.f32.msk $0xffff, v0  }
0x2aa: {  	s21 =	sor.u32 s19, s20;
	[tilespmem:s18+$0x0] =	vst.add.f32.msk $0xffff, v1  }
0x2ab: {  	s22 =	sor.u32 $0x14000, s21;
	s23 =	sor.u32 $0x14010, s21;
	s24 =	sor.u32 $0x14020, s21;
	v0 =	vld [tilespmem:s21+$0xC070]  }
0x2ac: {  	s20 =	sor.u32 $0x14030, s21;
	s19 =	sor.u32 $0x14040, s21;
	s17 =	sor.u32 $0x14050, s21;
	v4 =	vld [tilespmem:s21+$0xC000]  }
0x2ad: {  	s18 =	sor.u32 $0x14060, s21;
	v5 =	vld [tilespmem:s21+$0xC010]  }
0x2ae: {  	v6 =	vld [tilespmem:s21+$0xC020]  }
0x2af: {  	s25 =	sor.u32 $0x14070, s21;
	v2 =	vld [tilespmem:s21+$0xC030]  }
0x2b0: {  	[tilespmem:s25+$0x0] =	vst.add.f32.msk $0xffff, v0  }
0x2b1: {  	v3 =	vld [tilespmem:s21+$0xC040]  }
.Ltmp15:
0x2b2: {  	v0 =	vld [tilespmem:s21+$0xC050];
	(pc) =	sbr.rel @p0 .LBB2_32-.Ltmp15, $4  }
0x2b3: {  	v1 =	vld [tilespmem:s21+$0xC060]  }
0x2b4: {  	[tilespmem:s22+$0x0] =	vst.add.f32.msk $0xffff, v4  }
0x2b5: {  	[tilespmem:s23+$0x0] =	vst.add.f32.msk $0xffff, v5  }
0x2b6: {  	[tilespmem:s24+$0x0] =	vst.add.f32.msk $0xffff, v6  }
0x2b7: {  	[tilespmem:s20+$0x0] =	vst.add.f32.msk $0xffff, v2  }
0x2b8: {  	[tilespmem:s19+$0x0] =	vst.add.f32.msk $0xffff, v3  }
0x2b9: {  	[tilespmem:s17+$0x0] =	vst.add.f32.msk $0xffff, v0  }
0x2ba: {  	s13 =	sadd.s32 $0x1, s13;
	[tilespmem:s18+$0x0] =	vst.add.f32.msk $0xffff, v1  }
0x2bb: {  	[hbm4b:s4+s1] =	stream.linear.scatter [tilespmem:s7], [sflag:$0x5], $0x4000, $0x38;
	[tilespmem:$0x18000] =	vst v63  }
0x2bc: {  	p0 =	sne.s32 s13, s5;
	_ =	swait.ge [sflag:s11], $0x4000  }
.Ltmp16:
0x2bd: {  	[sflag:s11] =	ssyncset.done $0x0;
	(pc) =	sbr.rel @p0 .LBB2_1-.Ltmp16, $4  }
0x2be: {  	[sflag:s11] =	ssyncadd.s32 $0xFFFFC000  }
0x2bf: {  	_ =	swait.ge [sflag:s12], $0x4000  }
0x2c0: {  	[sflag:s12] =	ssyncset.done $0x0  }
0x2c1: {  	[sflag:s12] =	ssyncadd.s32 $0xFFFFC000  }
0x2c2: {  	_ =	sfence.sel $0x180000  }
0x2c3: {  	[bflag:$0x0] =	sbarrier.arrive $0xFFFF  }
0x2c4: {  	_ =	strace $0x90000047  }
0x2c5: {  	s0 =	stileid.u32;
	[bflag:$0x2] =	sbarrier.arrive $0xFFFF  }
0x2c6: {  	p0 =	sne.s32 s0, $0x0;
	s0 =	rddreg [dreg:$0x3]  }
0x2c7: {  	s0 =	sadd.s32 @!p0 $0x100000, s0  }
0x2c8: {  	[sflag:s0] =	ssyncadd.tile.s32 @!p0 $0x1;
	_ =	shalt  }
.Lfunc_end2:
_tile_overlayer_lowered:
.L_overlay_start_2:
0x2c9: {  	(tag) =	ssettag $0x2  }
0x2ca: {  	s0 =	rddreg [dreg:$0x0];
	s2 =	stileid.u32  }
0x2cb: {  	s1 =	rddreg [dreg:$0x1];
	p0 =	sne.s32 s2, $0x0  }
0x2cc: {  	s3 =	rddreg [dreg:$0x2];
	[bflag:$0x3] =	sbarrier.arrive $0xFFFF;
	s2 =	simm.s32 @!p0 $0x1C06  }
0x2cd: {  	[timem:s3], [sflag:s2] =	dma.local @!p0 [hbm:s0], s1  }
0x2ce: {  	s0 =	simm.s32 @!p0 $0x6  }
0x2cf: {  	_ =	swait.ge @!p0 [sflag:s0], s1  }
0x2d0: {  	s1 =	ssub.s32 @!p0 $0x0, s1;
	[sflag:s0] =	ssyncset.done @!p0 $0x0  }
0x2d1: {  	[sflag:s0] =	ssyncadd.s32 @!p0 s1  }
0x2d2: {  	[bflag:$0x3] =	sbarrier.arrive $0xFFFF  }
0x2d3: {  	_ =	shalt  }

</sc_bundles>
